<compile_context>
chip_gen: v7x
topology: tpu7x:2x2x1
jax: 0.10.2.dev20260603
libtpu: 0.0.44.dev20260713+nightly
codegen_flags: <defaults>
</compile_context>

<pallas_src>
import functools

import jax
import jax.numpy as jnp
import numpy as np
from jax.experimental import pallas as pl
from jax.experimental.pallas import tpu as pltpu
from jax.experimental.pallas import tpu_sc as plsc

_NODE_DIM = 256
_EMB_DIM = 512
_SEQ_LEN = 2048


def _basesin(t, omiga, fai=0.0):
    T = 2 * np.pi / omiga
    return np.sin(omiga * np.abs(np.mod(t, 2 * T) - T) + fai)


def _basecos(t, omiga, fai=0.0):
    T = 2 * np.pi / omiga
    return np.cos(omiga * np.abs(np.mod(t, 2 * T) - T) + fai)


def _make_cpe(n_position, emb_dim, mean_pooling=True):
    skip_base = np.power(n_position, 1 / (emb_dim // 2))
    skip_set = np.linspace(skip_base, n_position, emb_dim // 2, dtype='int')
    x = np.zeros((n_position, emb_dim))
    for i in range(emb_dim):
        skip = skip_set[i // 3 * 3 + 1] if i // 3 * 3 + 1 < emb_dim // 2 else skip_set[-1]
        if n_position > skip:
            longer_pattern = np.arange(0, np.ceil(n_position / skip) * skip + 0.01, 0.01)
        else:
            longer_pattern = np.arange(0, n_position + 0.01, 0.01)
            skip = n_position
        num = len(longer_pattern) - 1
        omiga = 2 * np.pi / skip
        fai = 0 if i <= emb_dim // 2 else 2 * np.pi * ((-i + emb_dim // 2) / (emb_dim // 2))
        sel = np.linspace(0, num, n_position + 1, dtype='int')
        if i % 2 == 1:
            x[:, i] = _basecos(longer_pattern, omiga, fai)[sel][:n_position]
        else:
            x[:, i] = _basesin(longer_pattern, omiga, fai)[sel][:n_position]
    pattern = x.astype(np.float32)
    pattern_sum = np.zeros_like(pattern)
    arange = np.arange(n_position)
    pooling = [-2, -1, 0, 1, 2] if mean_pooling else [0]
    time = 0
    for i in pooling:
        time += 1
        index = (arange + i + n_position) % n_position
        pattern_sum += pattern[index]
    pattern = 1.0 / time * pattern_sum - pattern.mean(0)
    return pattern


_PATTERN_NP = _make_cpe(_SEQ_LEN, _EMB_DIM, mean_pooling=True)

_NC = 2
_NS = 16
_CH = 32
_NBUF = 4


def _pfe_gather(table, idx, B, S):
    mesh = plsc.VectorSubcoreMesh(core_axis_name="c", subcore_axis_name="s")
    nch = S // _CH

    @functools.partial(
        pl.kernel,
        out_type=jax.ShapeDtypeStruct((B, S, _EMB_DIM), jnp.float32),
        mesh=mesh,
        scratch_types=[
            pltpu.VMEM((S,), jnp.int32),
            pltpu.VMEM((_NBUF, _CH, _EMB_DIM), jnp.float32),
        ] + [pltpu.SemaphoreType.DMA] * (2 * _NBUF),
    )
    def k(table_hbm, i_hbm, o_hbm, idx_v, rows_v, *sems):
        gsems, osems = sems[:_NBUF], sems[_NBUF:]
        wid = jax.lax.axis_index("s") * _NC + jax.lax.axis_index("c")
        pltpu.sync_copy(i_hbm.at[wid], idx_v)
        my_out = o_hbm.at[wid]

        def mask(c):
            for t in range(_CH // 16):
                sl = pl.ds(c * _CH + t * 16, 16)
                idx_v[sl] = jax.lax.bitwise_and(idx_v[sl], S - 1)

        def gather(c, buf):
            pltpu.async_copy(
                table_hbm.at[idx_v.at[pl.ds(c * _CH, _CH)]], rows_v.at[buf],
                gsems[buf])

        def wait_gather(buf):
            pltpu.make_async_copy(
                table_hbm.at[idx_v.at[pl.ds(0, _CH)]], rows_v.at[buf],
                gsems[buf]).wait()

        def put(c, buf):
            pltpu.async_copy(rows_v.at[buf], my_out.at[pl.ds(c * _CH, _CH)],
                             osems[buf])

        def wait_put(buf):
            pltpu.make_async_copy(
                rows_v.at[buf], my_out.at[pl.ds(0, _CH)], osems[buf]).wait()

        mask(0)
        gather(0, 0)
        mask(1)
        gather(1, 1)

        @pl.loop(0, nch, step=_NBUF)
        def _(c):
            for j in range(_NBUF):
                bj = j % _NBUF
                bn = (j + 2) % _NBUF
                wait_gather(bj)
                put(c + j, bj)

                @pl.when((c + j + 2 < nch) & (c + j - 2 >= 0))
                def _():
                    wait_put(bn)

                @pl.when(c + j + 2 < nch)
                def _():
                    mask(c + j + 2)
                    gather(c + j + 2, bn)

        for b in range(_NBUF):
            wait_put(b)

    return k(table, idx)


_MM_BM = 1024


def _nfe_matmul(x, W):
    B, S, N = x.shape

    def mm(x_ref, w_ref, o_ref):
        o_ref[0] = jax.lax.dot_general(
            x_ref[0], w_ref[...], (((1,), (1,)), ((), ())),
            preferred_element_type=jnp.float32)

    return pl.pallas_call(
        mm,
        grid=(B, S // _MM_BM),
        in_specs=[
            pl.BlockSpec((1, _MM_BM, N), lambda b, j: (b, j, 0)),
            pl.BlockSpec((_EMB_DIM, N), lambda b, j: (0, 0)),
        ],
        out_specs=pl.BlockSpec((1, _MM_BM, _EMB_DIM), lambda b, j: (b, j, 0)),
        out_shape=jax.ShapeDtypeStruct((B, S, _EMB_DIM), jnp.float32),
    )(x, W)


def kernel(x, solutions, visited_time, W):
    B, S = visited_time.shape
    table = jnp.asarray(_PATTERN_NP)
    idx = visited_time.astype(jnp.int32)
    PFEs = _pfe_gather(table, idx, B, S)
    NFEs = _nfe_matmul(x, W)
    return (NFEs, PFEs, visited_time.astype(jnp.int64))

# --- scband reference (transcript-rebuilt; emitter-appended) ---
"""Pipeline reference for scband-embedding-net-62878321213926 (READ-ONLY COPY).

The authoritative reference and input builder live on the scoring server;
editing this copy changes nothing except your own understanding.
"""

import jax, jax.numpy as jnp
import numpy as np

NODE_DIM = 256
EMB_DIM = 512
SEQ_LEN = 2048


def _basesin(t, omiga, fai=0.0):
    T = 2 * np.pi / omiga
    return np.sin(omiga * np.abs(np.mod(t, 2 * T) - T) + fai)


def _basecos(t, omiga, fai=0.0):
    T = 2 * np.pi / omiga
    return np.cos(omiga * np.abs(np.mod(t, 2 * T) - T) + fai)


def make_cpe(n_position, emb_dim, mean_pooling=True):
    skip_base = np.power(n_position, 1 / (emb_dim // 2))
    skip_set = np.linspace(skip_base, n_position, emb_dim // 2, dtype='int')
    x = np.zeros((n_position, emb_dim))
    for i in range(emb_dim):
        skip = skip_set[i // 3 * 3 + 1] if i // 3 * 3 + 1 < emb_dim // 2 else skip_set[-1]
        if n_position > skip:
            longer_pattern = np.arange(0, np.ceil(n_position / skip) * skip + 0.01, 0.01)
        else:
            longer_pattern = np.arange(0, n_position + 0.01, 0.01)
            skip = n_position
        num = len(longer_pattern) - 1
        omiga = 2 * np.pi / skip
        fai = 0 if i <= emb_dim // 2 else 2 * np.pi * ((-i + emb_dim // 2) / (emb_dim // 2))
        sel = np.linspace(0, num, n_position + 1, dtype='int')
        if i % 2 == 1:
            x[:, i] = _basecos(longer_pattern, omiga, fai)[sel][:n_position]
        else:
            x[:, i] = _basesin(longer_pattern, omiga, fai)[sel][:n_position]
    pattern = x.astype(np.float32)
    pattern_sum = np.zeros_like(pattern)
    arange = np.arange(n_position)
    pooling = [-2, -1, 0, 1, 2] if mean_pooling else [0]
    time = 0
    for i in pooling:
        time += 1
        index = (arange + i + n_position) % n_position
        pattern_sum += pattern[index]
    pattern = 1.0 / time * pattern_sum - pattern.mean(0)
    return jnp.asarray(pattern, dtype=jnp.float32)


PATTERN = make_cpe(SEQ_LEN, EMB_DIM, mean_pooling=True)


def setup_inputs(seed: int = 0) -> dict:
    key = jax.random.key(seed)
    k_x, k_sol, k_vt, k_w = jax.random.split(key, 4)
    B = 32
    x = jax.random.normal(k_x, (B, SEQ_LEN, NODE_DIM), dtype=jnp.float32)
    solutions = jax.random.randint(k_sol, (B, SEQ_LEN), 0, SEQ_LEN, dtype=jnp.int64)
    visited_time = jax.random.randint(k_vt, (B, SEQ_LEN), 0, SEQ_LEN, dtype=jnp.int64)
    stdv = 1.0 / np.sqrt(NODE_DIM)
    W = jax.random.uniform(k_w, (EMB_DIM, NODE_DIM), minval=-stdv, maxval=stdv, dtype=jnp.float32)
    return {"x": x, "solutions": solutions, "visited_time": visited_time, "W": W}


def reference(x, solutions, visited_time, W):
    B, S = solutions.shape
    # position_encoding: gather CPE rows by (visited_time % seq_length)
    idx = jnp.mod(visited_time, S).astype(jnp.int32)
    PFEs = jnp.take(PATTERN, idx, axis=0)  # [B, S, E]
    # node feature embedding: Linear without bias
    NFEs = jnp.einsum('bsn,en->bse', x, W)
    return (NFEs, PFEs, visited_time.astype(jnp.int64))

if __name__ == "__main__":
    import jax
    _d = setup_inputs()
    print(jax.jit(kernel)(*tuple(_d.values())))

</pallas_src>

<mosaic_0001>
#map = affine_map<(d0, d1) -> (0, 0)>
#map1 = affine_map<(d0, d1) -> (0, 0, 0)>
module attributes {stable_mosaic.version = 14 : i64} {
  func.func @k(%arg0: i32, %arg1: i32, %arg2: memref<2048x512xf32, #tpu.memory_space<hbm>>, %arg3: memref<32x2048xi32, #tpu.memory_space<hbm>>, %arg4: memref<32x2048x512xf32, #tpu.memory_space<hbm>>, %arg5: memref<2048xi32, #tpu.memory_space<vmem>>, %arg6: memref<4x32x512xf32, #tpu.memory_space<vmem>>, %arg7: memref<!tpu.dma_semaphore, #tpu.memory_space<semaphore_mem>>, %arg8: memref<!tpu.dma_semaphore, #tpu.memory_space<semaphore_mem>>, %arg9: memref<!tpu.dma_semaphore, #tpu.memory_space<semaphore_mem>>, %arg10: memref<!tpu.dma_semaphore, #tpu.memory_space<semaphore_mem>>, %arg11: memref<!tpu.dma_semaphore, #tpu.memory_space<semaphore_mem>>, %arg12: memref<!tpu.dma_semaphore, #tpu.memory_space<semaphore_mem>>, %arg13: memref<!tpu.dma_semaphore, #tpu.memory_space<semaphore_mem>>, %arg14: memref<!tpu.dma_semaphore, #tpu.memory_space<semaphore_mem>>) attributes {dimension_semantics = [#tpu.dimension_semantics<core_parallel>, #tpu.dimension_semantics<subcore_parallel>], iteration_bounds = array<i64: 2, 16>, scalar_prefetch = 0 : i64, scratch_operands = 10 : i64, tpu.core_type = #tpu.core_type<sc_vector_subcore>, window_params = [{transform_indices = #map}, {transform_indices = #map}, {transform_indices = #map1}]} {
    %mul3A = arith.constant 2 : i32
    %mul3A_0 = arith.muli %arg1, %mul3A : i32
    %add3A = arith.addi %mul3A_0, %arg0 : i32
    "tpu.region"() ({
      %run_scoped3A = tpu.sem_alloc : memref<!tpu.dma_semaphore, #tpu.memory_space<semaphore_mem>>
      %dma_start3A_152 = arith.constant 0 : i32
      %dma_start3A_153 = tpu.memref_slice %arg3[%add3A, %dma_start3A_152] : memref<32x2048xi32, #tpu.memory_space<hbm>> -> memref<1x2048xi32, #tpu.memory_space<hbm>>
      %dma_start3A_154 = tpu.memref_squeeze %dma_start3A_153 : memref<1x2048xi32, #tpu.memory_space<hbm>> -> memref<2048xi32, #tpu.memory_space<hbm>>
      %dma_start3A_155 = arith.constant 0 : i32
      %dma_start3A_156 = tpu.memref_slice %arg3[%add3A, %dma_start3A_155] : memref<32x2048xi32, #tpu.memory_space<hbm>> -> memref<1x2048xi32, #tpu.memory_space<hbm>>
      %dma_start3A_157 = tpu.memref_squeeze %dma_start3A_156 : memref<1x2048xi32, #tpu.memory_space<hbm>> -> memref<2048xi32, #tpu.memory_space<hbm>>
      tpu.enqueue_dma source(%dma_start3A_157 : memref<2048xi32, #tpu.memory_space<hbm>>) target(%arg5 : memref<2048xi32, #tpu.memory_space<vmem>>) target_semaphore(%run_scoped3A : memref<!tpu.dma_semaphore, #tpu.memory_space<semaphore_mem>>)
      %dma_wait3A_158 = arith.constant 0 : i32
      %dma_wait3A_159 = tpu.memref_slice %arg3[%add3A, %dma_wait3A_158] : memref<32x2048xi32, #tpu.memory_space<hbm>> -> memref<1x2048xi32, #tpu.memory_space<hbm>>
      %dma_wait3A_160 = tpu.memref_squeeze %dma_wait3A_159 : memref<1x2048xi32, #tpu.memory_space<hbm>> -> memref<2048xi32, #tpu.memory_space<hbm>>
      %dma_wait3A_161 = arith.constant 0 : i32
      %dma_wait3A_162 = tpu.memref_slice %arg3[%add3A, %dma_wait3A_161] : memref<32x2048xi32, #tpu.memory_space<hbm>> -> memref<1x2048xi32, #tpu.memory_space<hbm>>
      %dma_wait3A_163 = tpu.memref_squeeze %dma_wait3A_162 : memref<1x2048xi32, #tpu.memory_space<hbm>> -> memref<2048xi32, #tpu.memory_space<hbm>>
      tpu.wait_dma2 semaphore(%run_scoped3A : memref<!tpu.dma_semaphore, #tpu.memory_space<semaphore_mem>>) src(%dma_wait3A_163 : memref<2048xi32, #tpu.memory_space<hbm>>) dst(%arg5 : memref<2048xi32, #tpu.memory_space<vmem>>)
      tpu.yield
    }) : () -> ()
    %get3A = arith.constant 0 : index
    %get3A_1 = tpu.vector_load %arg5[%get3A] {strides = array<i32>} : memref<2048xi32, #tpu.memory_space<vmem>>, vector<16xi32>,
    %get3A_2 = vector.shape_cast %get3A_1 : vector<16xi32> to vector<16xi32>
    %and3A = arith.constant 2047 : i32
    %and3A_3 = vector.broadcast %and3A : i32 to vector<16xi32>
    %and3A_4 = arith.andi %get3A_2, %and3A_3 : vector<16xi32>
    %swap3A = arith.constant 0 : index
    %swap3A_5 = tpu.vector_load %arg5[%swap3A] {strides = array<i32>} : memref<2048xi32, #tpu.memory_space<vmem>>, vector<16xi32>,
    %swap3A_6 = vector.shape_cast %swap3A_5 : vector<16xi32> to vector<16xi32>
    %swap3A_7 = vector.shape_cast %and3A_4 : vector<16xi32> to vector<16xi32>
    tpu.vector_store %arg5[%swap3A], %swap3A_7 {strides = array<i32>} : memref<2048xi32, #tpu.memory_space<vmem>>, vector<16xi32>,
    %get3A_8 = arith.constant 16 : index
    %get3A_9 = tpu.vector_load %arg5[%get3A_8] {strides = array<i32>} : memref<2048xi32, #tpu.memory_space<vmem>>, vector<16xi32>,
    %get3A_10 = vector.shape_cast %get3A_9 : vector<16xi32> to vector<16xi32>
    %and3A_11 = arith.constant 2047 : i32
    %and3A_12 = vector.broadcast %and3A_11 : i32 to vector<16xi32>
    %and3A_13 = arith.andi %get3A_10, %and3A_12 : vector<16xi32>
    %swap3A_14 = arith.constant 16 : index
    %swap3A_15 = tpu.vector_load %arg5[%swap3A_14] {strides = array<i32>} : memref<2048xi32, #tpu.memory_space<vmem>>, vector<16xi32>,
    %swap3A_16 = vector.shape_cast %swap3A_15 : vector<16xi32> to vector<16xi32>
    %swap3A_17 = vector.shape_cast %and3A_13 : vector<16xi32> to vector<16xi32>
    tpu.vector_store %arg5[%swap3A_14], %swap3A_17 {strides = array<i32>} : memref<2048xi32, #tpu.memory_space<vmem>>, vector<16xi32>,
    %dma_start3A = arith.constant 0 : i32
    %dma_start3A_18 = arith.constant 0 : i32
    %dma_start3A_19 = arith.constant 0 : i32
    %dma_start3A_20 = tpu.memref_slice %arg6[%dma_start3A, %dma_start3A_18, %dma_start3A_19] : memref<4x32x512xf32, #tpu.memory_space<vmem>> -> memref<1x32x512xf32, #tpu.memory_space<vmem>>
    %dma_start3A_21 = tpu.memref_squeeze %dma_start3A_20 : memref<1x32x512xf32, #tpu.memory_space<vmem>> -> memref<32x512xf32, #tpu.memory_space<vmem>>
    %dma_start3A_22 = arith.constant 0 : i32
    %dma_start3A_23 = tpu.memref_slice %arg5[%dma_start3A_22] : memref<2048xi32, #tpu.memory_space<vmem>> -> memref<32xi32, #tpu.memory_space<vmem>>
    %dma_start3A_24 = arith.constant 0 : i32
    %dma_start3A_25 = arith.constant 0 : i32
    %dma_start3A_26 = tpu.memref_slice %arg2[%dma_start3A_24, %dma_start3A_25] : memref<2048x512xf32, #tpu.memory_space<hbm>> -> memref<2048x512xf32, #tpu.memory_space<hbm>>
    tpu.enqueue_indirect_dma source(%dma_start3A_26 : memref<2048x512xf32, #tpu.memory_space<hbm>>) target(%dma_start3A_21 : memref<32x512xf32, #tpu.memory_space<vmem>>) offsets(%dma_start3A_23 : memref<32xi32, #tpu.memory_space<vmem>>) semaphore(%arg7 : memref<!tpu.dma_semaphore, #tpu.memory_space<semaphore_mem>>)
    %get3A_27 = arith.constant 32 : index
    %get3A_28 = tpu.vector_load %arg5[%get3A_27] {strides = array<i32>} : memref<2048xi32, #tpu.memory_space<vmem>>, vector<16xi32>,
    %get3A_29 = vector.shape_cast %get3A_28 : vector<16xi32> to vector<16xi32>
    %and3A_30 = arith.constant 2047 : i32
    %and3A_31 = vector.broadcast %and3A_30 : i32 to vector<16xi32>
    %and3A_32 = arith.andi %get3A_29, %and3A_31 : vector<16xi32>
    %swap3A_33 = arith.constant 32 : index
    %swap3A_34 = tpu.vector_load %arg5[%swap3A_33] {strides = array<i32>} : memref<2048xi32, #tpu.memory_space<vmem>>, vector<16xi32>,
    %swap3A_35 = vector.shape_cast %swap3A_34 : vector<16xi32> to vector<16xi32>
    %swap3A_36 = vector.shape_cast %and3A_32 : vector<16xi32> to vector<16xi32>
    tpu.vector_store %arg5[%swap3A_33], %swap3A_36 {strides = array<i32>} : memref<2048xi32, #tpu.memory_space<vmem>>, vector<16xi32>,
    %get3A_37 = arith.constant 48 : index
    %get3A_38 = tpu.vector_load %arg5[%get3A_37] {strides = array<i32>} : memref<2048xi32, #tpu.memory_space<vmem>>, vector<16xi32>,
    %get3A_39 = vector.shape_cast %get3A_38 : vector<16xi32> to vector<16xi32>
    %and3A_40 = arith.constant 2047 : i32
    %and3A_41 = vector.broadcast %and3A_40 : i32 to vector<16xi32>
    %and3A_42 = arith.andi %get3A_39, %and3A_41 : vector<16xi32>
    %swap3A_43 = arith.constant 48 : index
    %swap3A_44 = tpu.vector_load %arg5[%swap3A_43] {strides = array<i32>} : memref<2048xi32, #tpu.memory_space<vmem>>, vector<16xi32>,
    %swap3A_45 = vector.shape_cast %swap3A_44 : vector<16xi32> to vector<16xi32>
    %swap3A_46 = vector.shape_cast %and3A_42 : vector<16xi32> to vector<16xi32>
    tpu.vector_store %arg5[%swap3A_43], %swap3A_46 {strides = array<i32>} : memref<2048xi32, #tpu.memory_space<vmem>>, vector<16xi32>,
    %dma_start3A_47 = arith.constant 1 : i32
    %dma_start3A_48 = arith.constant 0 : i32
    %dma_start3A_49 = arith.constant 0 : i32
    %dma_start3A_50 = tpu.memref_slice %arg6[%dma_start3A_47, %dma_start3A_48, %dma_start3A_49] : memref<4x32x512xf32, #tpu.memory_space<vmem>> -> memref<1x32x512xf32, #tpu.memory_space<vmem>>
    %dma_start3A_51 = tpu.memref_squeeze %dma_start3A_50 : memref<1x32x512xf32, #tpu.memory_space<vmem>> -> memref<32x512xf32, #tpu.memory_space<vmem>>
    %dma_start3A_52 = arith.constant 32 : i32
    %dma_start3A_53 = tpu.memref_slice %arg5[%dma_start3A_52] : memref<2048xi32, #tpu.memory_space<vmem>> -> memref<32xi32, #tpu.memory_space<vmem>>
    %dma_start3A_54 = arith.constant 0 : i32
    %dma_start3A_55 = arith.constant 0 : i32
    %dma_start3A_56 = tpu.memref_slice %arg2[%dma_start3A_54, %dma_start3A_55] : memref<2048x512xf32, #tpu.memory_space<hbm>> -> memref<2048x512xf32, #tpu.memory_space<hbm>>
    tpu.enqueue_indirect_dma source(%dma_start3A_56 : memref<2048x512xf32, #tpu.memory_space<hbm>>) target(%dma_start3A_51 : memref<32x512xf32, #tpu.memory_space<vmem>>) offsets(%dma_start3A_53 : memref<32xi32, #tpu.memory_space<vmem>>) semaphore(%arg8 : memref<!tpu.dma_semaphore, #tpu.memory_space<semaphore_mem>>)
    %scan3A = arith.constant 0 : i32
    %scan3A_57 = arith.constant 16 : i32
    %scan3A_58 = arith.addi %scan3A, %scan3A_57 : i32
    %scan3A_59 = arith.constant 1 : i32
    scf.for %scan3A_152 = %scan3A to %scan3A_58 step %scan3A_59  : i32 {
      %mul3A_153 = arith.constant 4 : i32
      %mul3A_154 = arith.muli %scan3A_152, %mul3A_153 : i32
      %add3A_155 = arith.constant 0 : i32
      %add3A_156 = arith.addi %add3A_155, %mul3A_154 : i32
      %dma_wait3A_157 = arith.constant 0 : i32
      %dma_wait3A_158 = arith.constant 0 : i32
      %dma_wait3A_159 = arith.constant 0 : i32
      %dma_wait3A_160 = tpu.memref_slice %arg6[%dma_wait3A_157, %dma_wait3A_158, %dma_wait3A_159] : memref<4x32x512xf32, #tpu.memory_space<vmem>> -> memref<1x32x512xf32, #tpu.memory_space<vmem>>
      %dma_wait3A_161 = tpu.memref_squeeze %dma_wait3A_160 : memref<1x32x512xf32, #tpu.memory_space<vmem>> -> memref<32x512xf32, #tpu.memory_space<vmem>>
      %dma_wait3A_162 = arith.constant 0 : i32
      %dma_wait3A_163 = tpu.memref_slice %arg5[%dma_wait3A_162] : memref<2048xi32, #tpu.memory_space<vmem>> -> memref<32xi32, #tpu.memory_space<vmem>>
      %dma_wait3A_164 = arith.constant 0 : i32
      %dma_wait3A_165 = arith.constant 0 : i32
      %dma_wait3A_166 = tpu.memref_slice %arg2[%dma_wait3A_164, %dma_wait3A_165] : memref<2048x512xf32, #tpu.memory_space<hbm>> -> memref<2048x512xf32, #tpu.memory_space<hbm>>
      tpu.wait_indirect_dma semaphore(%arg7 : memref<!tpu.dma_semaphore, #tpu.memory_space<semaphore_mem>>) src(%dma_wait3A_166 : memref<2048x512xf32, #tpu.memory_space<hbm>>) dst(%dma_wait3A_161 : memref<32x512xf32, #tpu.memory_space<vmem>>)
      %add3A_167 = arith.constant 0 : i32
      %add3A_168 = arith.addi %add3A_156, %add3A_167 : i32
      %mul3A_169 = arith.constant 32 : i32
      %mul3A_170 = arith.muli %add3A_168, %mul3A_169 : i32
      %dma_start3A_171 = arith.constant 0 : i32
      %dma_start3A_172 = arith.constant 0 : i32
      %dma_start3A_173 = arith.constant 0 : i32
      %dma_start3A_174 = tpu.memref_slice %arg6[%dma_start3A_171, %dma_start3A_172, %dma_start3A_173] : memref<4x32x512xf32, #tpu.memory_space<vmem>> -> memref<1x32x512xf32, #tpu.memory_space<vmem>>
      %dma_start3A_175 = tpu.memref_squeeze %dma_start3A_174 : memref<1x32x512xf32, #tpu.memory_space<vmem>> -> memref<32x512xf32, #tpu.memory_space<vmem>>
      %dma_start3A_176 = arith.constant 0 : i32
      %dma_start3A_177 = arith.constant 0 : i32
      %dma_start3A_178 = tpu.memref_slice %arg4[%add3A, %dma_start3A_176, %dma_start3A_177] : memref<32x2048x512xf32, #tpu.memory_space<hbm>> -> memref<1x2048x512xf32, #tpu.memory_space<hbm>>
      %dma_start3A_179 = tpu.memref_squeeze %dma_start3A_178 : memref<1x2048x512xf32, #tpu.memory_space<hbm>> -> memref<2048x512xf32, #tpu.memory_space<hbm>>
      %dma_start3A_180 = arith.constant 0 : i32
      %dma_start3A_181 = tpu.memref_slice %dma_start3A_179[%mul3A_170, %dma_start3A_180] : memref<2048x512xf32, #tpu.memory_space<hbm>> -> memref<32x512xf32, #tpu.memory_space<hbm>>
      %dma_start3A_182 = arith.constant 0 : i32
      %dma_start3A_183 = arith.constant 0 : i32
      %dma_start3A_184 = tpu.memref_slice %arg4[%add3A, %dma_start3A_182, %dma_start3A_183] : memref<32x2048x512xf32, #tpu.memory_space<hbm>> -> memref<1x2048x512xf32, #tpu.memory_space<hbm>>
      %dma_start3A_185 = tpu.memref_squeeze %dma_start3A_184 : memref<1x2048x512xf32, #tpu.memory_space<hbm>> -> memref<2048x512xf32, #tpu.memory_space<hbm>>
      %dma_start3A_186 = arith.constant 0 : i32
      %dma_start3A_187 = tpu.memref_slice %dma_start3A_185[%mul3A_170, %dma_start3A_186] : memref<2048x512xf32, #tpu.memory_space<hbm>> -> memref<32x512xf32, #tpu.memory_space<hbm>>
      %dma_start3A_188 = arith.constant 0 : i32
      %dma_start3A_189 = arith.constant 0 : i32
      %dma_start3A_190 = tpu.memref_slice %arg6[%dma_start3A_171, %dma_start3A_188, %dma_start3A_189] : memref<4x32x512xf32, #tpu.memory_space<vmem>> -> memref<1x32x512xf32, #tpu.memory_space<vmem>>
      %dma_start3A_191 = tpu.memref_squeeze %dma_start3A_190 : memref<1x32x512xf32, #tpu.memory_space<vmem>> -> memref<32x512xf32, #tpu.memory_space<vmem>>
      tpu.enqueue_dma source(%dma_start3A_191 : memref<32x512xf32, #tpu.memory_space<vmem>>) target(%dma_start3A_187 : memref<32x512xf32, #tpu.memory_space<hbm>>) target_semaphore(%arg11 : memref<!tpu.dma_semaphore, #tpu.memory_space<semaphore_mem>>)
      %add3A_192 = arith.constant 0 : i32
      %add3A_193 = arith.addi %add3A_156, %add3A_192 : i32
      %add3A_194 = arith.constant 2 : i32
      %add3A_195 = arith.addi %add3A_193, %add3A_194 : i32
      %lt3A = arith.constant 64 : i32
      %lt3A_196 = arith.cmpi slt, %add3A_195, %lt3A : i32
      %add3A_197 = arith.constant 0 : i32
      %add3A_198 = arith.addi %add3A_156, %add3A_197 : i32
      %sub3A = arith.constant 2 : i32
      %sub3A_199 = arith.subi %add3A_198, %sub3A : i32
      %ge3A = arith.constant 0 : i32
      %ge3A_200 = arith.cmpi sge, %sub3A_199, %ge3A : i32
      %and3A_201 = arith.andi %lt3A_196, %ge3A_200 : i1
      %convert_element_type3A = arith.extui %and3A_201 : i1 to i32
      %cond3A = arith.constant 0 : i32
      %cond3A_202 = arith.cmpi ne, %convert_element_type3A, %cond3A : i32
      scf.if %cond3A_202 {
        %dma_wait3A_392 = arith.constant 2 : i32
        %dma_wait3A_393 = arith.constant 0 : i32
        %dma_wait3A_394 = arith.constant 0 : i32
        %dma_wait3A_395 = tpu.memref_slice %arg6[%dma_wait3A_392, %dma_wait3A_393, %dma_wait3A_394] : memref<4x32x512xf32, #tpu.memory_space<vmem>> -> memref<1x32x512xf32, #tpu.memory_space<vmem>>
        %dma_wait3A_396 = tpu.memref_squeeze %dma_wait3A_395 : memref<1x32x512xf32, #tpu.memory_space<vmem>> -> memref<32x512xf32, #tpu.memory_space<vmem>>
        %dma_wait3A_397 = arith.constant 0 : i32
        %dma_wait3A_398 = arith.constant 0 : i32
        %dma_wait3A_399 = tpu.memref_slice %arg4[%add3A, %dma_wait3A_397, %dma_wait3A_398] : memref<32x2048x512xf32, #tpu.memory_space<hbm>> -> memref<1x2048x512xf32, #tpu.memory_space<hbm>>
        %dma_wait3A_400 = tpu.memref_squeeze %dma_wait3A_399 : memref<1x2048x512xf32, #tpu.memory_space<hbm>> -> memref<2048x512xf32, #tpu.memory_space<hbm>>
        %dma_wait3A_401 = arith.constant 0 : i32
        %dma_wait3A_402 = arith.constant 0 : i32
        %dma_wait3A_403 = tpu.memref_slice %dma_wait3A_400[%dma_wait3A_401, %dma_wait3A_402] : memref<2048x512xf32, #tpu.memory_space<hbm>> -> memref<32x512xf32, #tpu.memory_space<hbm>>
        %dma_wait3A_404 = arith.constant 0 : i32
        %dma_wait3A_405 = arith.constant 0 : i32
        %dma_wait3A_406 = tpu.memref_slice %arg4[%add3A, %dma_wait3A_404, %dma_wait3A_405] : memref<32x2048x512xf32, #tpu.memory_space<hbm>> -> memref<1x2048x512xf32, #tpu.memory_space<hbm>>
        %dma_wait3A_407 = tpu.memref_squeeze %dma_wait3A_406 : memref<1x2048x512xf32, #tpu.memory_space<hbm>> -> memref<2048x512xf32, #tpu.memory_space<hbm>>
        %dma_wait3A_408 = arith.constant 0 : i32
        %dma_wait3A_409 = arith.constant 0 : i32
        %dma_wait3A_410 = tpu.memref_slice %dma_wait3A_407[%dma_wait3A_408, %dma_wait3A_409] : memref<2048x512xf32, #tpu.memory_space<hbm>> -> memref<32x512xf32, #tpu.memory_space<hbm>>
        %dma_wait3A_411 = arith.constant 0 : i32
        %dma_wait3A_412 = arith.constant 0 : i32
        %dma_wait3A_413 = tpu.memref_slice %arg6[%dma_wait3A_392, %dma_wait3A_411, %dma_wait3A_412] : memref<4x32x512xf32, #tpu.memory_space<vmem>> -> memref<1x32x512xf32, #tpu.memory_space<vmem>>
        %dma_wait3A_414 = tpu.memref_squeeze %dma_wait3A_413 : memref<1x32x512xf32, #tpu.memory_space<vmem>> -> memref<32x512xf32, #tpu.memory_space<vmem>>
        tpu.wait_dma2 semaphore(%arg13 : memref<!tpu.dma_semaphore, #tpu.memory_space<semaphore_mem>>) src(%dma_wait3A_414 : memref<32x512xf32, #tpu.memory_space<vmem>>) dst(%dma_wait3A_410 : memref<32x512xf32, #tpu.memory_space<hbm>>)
      } else {
      }
      %add3A_203 = arith.constant 0 : i32
      %add3A_204 = arith.addi %add3A_156, %add3A_203 : i32
      %add3A_205 = arith.constant 2 : i32
      %add3A_206 = arith.addi %add3A_204, %add3A_205 : i32
      %lt3A_207 = arith.constant 64 : i32
      %lt3A_208 = arith.cmpi slt, %add3A_206, %lt3A_207 : i32
      %convert_element_type3A_209 = arith.extui %lt3A_208 : i1 to i32
      %cond3A_210 = arith.constant 0 : i32
      %cond3A_211 = arith.cmpi ne, %convert_element_type3A_209, %cond3A_210 : i32
      scf.if %cond3A_211 {
        %add3A_392 = arith.constant 0 : i32
        %add3A_393 = arith.addi %add3A_156, %add3A_392 : i32
        %add3A_394 = arith.constant 2 : i32
        %add3A_395 = arith.addi %add3A_393, %add3A_394 : i32
        %mul3A_396 = arith.constant 32 : i32
        %mul3A_397 = arith.muli %add3A_395, %mul3A_396 : i32
        %add3A_398 = arith.constant 0 : i32
        %add3A_399 = arith.addi %mul3A_397, %add3A_398 : i32
        %get3A_400 = arith.index_cast %add3A_399 : i32 to index
        %get3A_401 = tpu.vector_load %arg5[%get3A_400] {strides = array<i32>} : memref<2048xi32, #tpu.memory_space<vmem>>, vector<16xi32>,
        %get3A_402 = vector.shape_cast %get3A_401 : vector<16xi32> to vector<16xi32>
        %and3A_403 = arith.constant 2047 : i32
        %and3A_404 = vector.broadcast %and3A_403 : i32 to vector<16xi32>
        %and3A_405 = arith.andi %get3A_402, %and3A_404 : vector<16xi32>
        %swap3A_406 = arith.index_cast %add3A_399 : i32 to index
        %swap3A_407 = tpu.vector_load %arg5[%swap3A_406] {strides = array<i32>} : memref<2048xi32, #tpu.memory_space<vmem>>, vector<16xi32>,
        %swap3A_408 = vector.shape_cast %swap3A_407 : vector<16xi32> to vector<16xi32>
        %swap3A_409 = vector.shape_cast %and3A_405 : vector<16xi32> to vector<16xi32>
        tpu.vector_store %arg5[%swap3A_406], %swap3A_409 {strides = array<i32>} : memref<2048xi32, #tpu.memory_space<vmem>>, vector<16xi32>,
        %mul3A_410 = arith.constant 32 : i32
        %mul3A_411 = arith.muli %add3A_395, %mul3A_410 : i32
        %add3A_412 = arith.constant 16 : i32
        %add3A_413 = arith.addi %mul3A_411, %add3A_412 : i32
        %get3A_414 = arith.index_cast %add3A_413 : i32 to index
        %get3A_415 = tpu.vector_load %arg5[%get3A_414] {strides = array<i32>} : memref<2048xi32, #tpu.memory_space<vmem>>, vector<16xi32>,
        %get3A_416 = vector.shape_cast %get3A_415 : vector<16xi32> to vector<16xi32>
        %and3A_417 = arith.constant 2047 : i32
        %and3A_418 = vector.broadcast %and3A_417 : i32 to vector<16xi32>
        %and3A_419 = arith.andi %get3A_416, %and3A_418 : vector<16xi32>
        %swap3A_420 = arith.index_cast %add3A_413 : i32 to index
        %swap3A_421 = tpu.vector_load %arg5[%swap3A_420] {strides = array<i32>} : memref<2048xi32, #tpu.memory_space<vmem>>, vector<16xi32>,
        %swap3A_422 = vector.shape_cast %swap3A_421 : vector<16xi32> to vector<16xi32>
        %swap3A_423 = vector.shape_cast %and3A_419 : vector<16xi32> to vector<16xi32>
        tpu.vector_store %arg5[%swap3A_420], %swap3A_423 {strides = array<i32>} : memref<2048xi32, #tpu.memory_space<vmem>>, vector<16xi32>,
        %add3A_424 = arith.constant 0 : i32
        %add3A_425 = arith.addi %add3A_156, %add3A_424 : i32
        %add3A_426 = arith.constant 2 : i32
        %add3A_427 = arith.addi %add3A_425, %add3A_426 : i32
        %mul3A_428 = arith.constant 32 : i32
        %mul3A_429 = arith.muli %add3A_427, %mul3A_428 : i32
        %dma_start3A_430 = arith.constant 2 : i32
        %dma_start3A_431 = arith.constant 0 : i32
        %dma_start3A_432 = arith.constant 0 : i32
        %dma_start3A_433 = tpu.memref_slice %arg6[%dma_start3A_430, %dma_start3A_431, %dma_start3A_432] : memref<4x32x512xf32, #tpu.memory_space<vmem>> -> memref<1x32x512xf32, #tpu.memory_space<vmem>>
        %dma_start3A_434 = tpu.memref_squeeze %dma_start3A_433 : memref<1x32x512xf32, #tpu.memory_space<vmem>> -> memref<32x512xf32, #tpu.memory_space<vmem>>
        %dma_start3A_435 = tpu.memref_slice %arg5[%mul3A_429] : memref<2048xi32, #tpu.memory_space<vmem>> -> memref<32xi32, #tpu.memory_space<vmem>>
        %dma_start3A_436 = arith.constant 0 : i32
        %dma_start3A_437 = arith.constant 0 : i32
        %dma_start3A_438 = tpu.memref_slice %arg2[%dma_start3A_436, %dma_start3A_437] : memref<2048x512xf32, #tpu.memory_space<hbm>> -> memref<2048x512xf32, #tpu.memory_space<hbm>>
        tpu.enqueue_indirect_dma source(%dma_start3A_438 : memref<2048x512xf32, #tpu.memory_space<hbm>>) target(%dma_start3A_434 : memref<32x512xf32, #tpu.memory_space<vmem>>) offsets(%dma_start3A_435 : memref<32xi32, #tpu.memory_space<vmem>>) semaphore(%arg9 : memref<!tpu.dma_semaphore, #tpu.memory_space<semaphore_mem>>)
      } else {
      }
      %dma_wait3A_212 = arith.constant 1 : i32
      %dma_wait3A_213 = arith.constant 0 : i32
      %dma_wait3A_214 = arith.constant 0 : i32
      %dma_wait3A_215 = tpu.memref_slice %arg6[%dma_wait3A_212, %dma_wait3A_213, %dma_wait3A_214] : memref<4x32x512xf32, #tpu.memory_space<vmem>> -> memref<1x32x512xf32, #tpu.memory_space<vmem>>
      %dma_wait3A_216 = tpu.memref_squeeze %dma_wait3A_215 : memref<1x32x512xf32, #tpu.memory_space<vmem>> -> memref<32x512xf32, #tpu.memory_space<vmem>>
      %dma_wait3A_217 = arith.constant 0 : i32
      %dma_wait3A_218 = tpu.memref_slice %arg5[%dma_wait3A_217] : memref<2048xi32, #tpu.memory_space<vmem>> -> memref<32xi32, #tpu.memory_space<vmem>>
      %dma_wait3A_219 = arith.constant 0 : i32
      %dma_wait3A_220 = arith.constant 0 : i32
      %dma_wait3A_221 = tpu.memref_slice %arg2[%dma_wait3A_219, %dma_wait3A_220] : memref<2048x512xf32, #tpu.memory_space<hbm>> -> memref<2048x512xf32, #tpu.memory_space<hbm>>
      tpu.wait_indirect_dma semaphore(%arg8 : memref<!tpu.dma_semaphore, #tpu.memory_space<semaphore_mem>>) src(%dma_wait3A_221 : memref<2048x512xf32, #tpu.memory_space<hbm>>) dst(%dma_wait3A_216 : memref<32x512xf32, #tpu.memory_space<vmem>>)
      %add3A_222 = arith.constant 1 : i32
      %add3A_223 = arith.addi %add3A_156, %add3A_222 : i32
      %mul3A_224 = arith.constant 32 : i32
      %mul3A_225 = arith.muli %add3A_223, %mul3A_224 : i32
      %dma_start3A_226 = arith.constant 1 : i32
      %dma_start3A_227 = arith.constant 0 : i32
      %dma_start3A_228 = arith.constant 0 : i32
      %dma_start3A_229 = tpu.memref_slice %arg6[%dma_start3A_226, %dma_start3A_227, %dma_start3A_228] : memref<4x32x512xf32, #tpu.memory_space<vmem>> -> memref<1x32x512xf32, #tpu.memory_space<vmem>>
      %dma_start3A_230 = tpu.memref_squeeze %dma_start3A_229 : memref<1x32x512xf32, #tpu.memory_space<vmem>> -> memref<32x512xf32, #tpu.memory_space<vmem>>
      %dma_start3A_231 = arith.constant 0 : i32
      %dma_start3A_232 = arith.constant 0 : i32
      %dma_start3A_233 = tpu.memref_slice %arg4[%add3A, %dma_start3A_231, %dma_start3A_232] : memref<32x2048x512xf32, #tpu.memory_space<hbm>> -> memref<1x2048x512xf32, #tpu.memory_space<hbm>>
      %dma_start3A_234 = tpu.memref_squeeze %dma_start3A_233 : memref<1x2048x512xf32, #tpu.memory_space<hbm>> -> memref<2048x512xf32, #tpu.memory_space<hbm>>
      %dma_start3A_235 = arith.constant 0 : i32
      %dma_start3A_236 = tpu.memref_slice %dma_start3A_234[%mul3A_225, %dma_start3A_235] : memref<2048x512xf32, #tpu.memory_space<hbm>> -> memref<32x512xf32, #tpu.memory_space<hbm>>
      %dma_start3A_237 = arith.constant 0 : i32
      %dma_start3A_238 = arith.constant 0 : i32
      %dma_start3A_239 = tpu.memref_slice %arg4[%add3A, %dma_start3A_237, %dma_start3A_238] : memref<32x2048x512xf32, #tpu.memory_space<hbm>> -> memref<1x2048x512xf32, #tpu.memory_space<hbm>>
      %dma_start3A_240 = tpu.memref_squeeze %dma_start3A_239 : memref<1x2048x512xf32, #tpu.memory_space<hbm>> -> memref<2048x512xf32, #tpu.memory_space<hbm>>
      %dma_start3A_241 = arith.constant 0 : i32
      %dma_start3A_242 = tpu.memref_slice %dma_start3A_240[%mul3A_225, %dma_start3A_241] : memref<2048x512xf32, #tpu.memory_space<hbm>> -> memref<32x512xf32, #tpu.memory_space<hbm>>
      %dma_start3A_243 = arith.constant 0 : i32
      %dma_start3A_244 = arith.constant 0 : i32
      %dma_start3A_245 = tpu.memref_slice %arg6[%dma_start3A_226, %dma_start3A_243, %dma_start3A_244] : memref<4x32x512xf32, #tpu.memory_space<vmem>> -> memref<1x32x512xf32, #tpu.memory_space<vmem>>
      %dma_start3A_246 = tpu.memref_squeeze %dma_start3A_245 : memref<1x32x512xf32, #tpu.memory_space<vmem>> -> memref<32x512xf32, #tpu.memory_space<vmem>>
      tpu.enqueue_dma source(%dma_start3A_246 : memref<32x512xf32, #tpu.memory_space<vmem>>) target(%dma_start3A_242 : memref<32x512xf32, #tpu.memory_space<hbm>>) target_semaphore(%arg12 : memref<!tpu.dma_semaphore, #tpu.memory_space<semaphore_mem>>)
      %add3A_247 = arith.constant 1 : i32
      %add3A_248 = arith.addi %add3A_156, %add3A_247 : i32
      %add3A_249 = arith.constant 2 : i32
      %add3A_250 = arith.addi %add3A_248, %add3A_249 : i32
      %lt3A_251 = arith.constant 64 : i32
      %lt3A_252 = arith.cmpi slt, %add3A_250, %lt3A_251 : i32
      %add3A_253 = arith.constant 1 : i32
      %add3A_254 = arith.addi %add3A_156, %add3A_253 : i32
      %sub3A_255 = arith.constant 2 : i32
      %sub3A_256 = arith.subi %add3A_254, %sub3A_255 : i32
      %ge3A_257 = arith.constant 0 : i32
      %ge3A_258 = arith.cmpi sge, %sub3A_256, %ge3A_257 : i32
      %and3A_259 = arith.andi %lt3A_252, %ge3A_258 : i1
      %convert_element_type3A_260 = arith.extui %and3A_259 : i1 to i32
      %cond3A_261 = arith.constant 0 : i32
      %cond3A_262 = arith.cmpi ne, %convert_element_type3A_260, %cond3A_261 : i32
      scf.if %cond3A_262 {
        %dma_wait3A_392 = arith.constant 3 : i32
        %dma_wait3A_393 = arith.constant 0 : i32
        %dma_wait3A_394 = arith.constant 0 : i32
        %dma_wait3A_395 = tpu.memref_slice %arg6[%dma_wait3A_392, %dma_wait3A_393, %dma_wait3A_394] : memref<4x32x512xf32, #tpu.memory_space<vmem>> -> memref<1x32x512xf32, #tpu.memory_space<vmem>>
        %dma_wait3A_396 = tpu.memref_squeeze %dma_wait3A_395 : memref<1x32x512xf32, #tpu.memory_space<vmem>> -> memref<32x512xf32, #tpu.memory_space<vmem>>
        %dma_wait3A_397 = arith.constant 0 : i32
        %dma_wait3A_398 = arith.constant 0 : i32
        %dma_wait3A_399 = tpu.memref_slice %arg4[%add3A, %dma_wait3A_397, %dma_wait3A_398] : memref<32x2048x512xf32, #tpu.memory_space<hbm>> -> memref<1x2048x512xf32, #tpu.memory_space<hbm>>
        %dma_wait3A_400 = tpu.memref_squeeze %dma_wait3A_399 : memref<1x2048x512xf32, #tpu.memory_space<hbm>> -> memref<2048x512xf32, #tpu.memory_space<hbm>>
        %dma_wait3A_401 = arith.constant 0 : i32
        %dma_wait3A_402 = arith.constant 0 : i32
        %dma_wait3A_403 = tpu.memref_slice %dma_wait3A_400[%dma_wait3A_401, %dma_wait3A_402] : memref<2048x512xf32, #tpu.memory_space<hbm>> -> memref<32x512xf32, #tpu.memory_space<hbm>>
        %dma_wait3A_404 = arith.constant 0 : i32
        %dma_wait3A_405 = arith.constant 0 : i32
        %dma_wait3A_406 = tpu.memref_slice %arg4[%add3A, %dma_wait3A_404, %dma_wait3A_405] : memref<32x2048x512xf32, #tpu.memory_space<hbm>> -> memref<1x2048x512xf32, #tpu.memory_space<hbm>>
        %dma_wait3A_407 = tpu.memref_squeeze %dma_wait3A_406 : memref<1x2048x512xf32, #tpu.memory_space<hbm>> -> memref<2048x512xf32, #tpu.memory_space<hbm>>
        %dma_wait3A_408 = arith.constant 0 : i32
        %dma_wait3A_409 = arith.constant 0 : i32
        %dma_wait3A_410 = tpu.memref_slice %dma_wait3A_407[%dma_wait3A_408, %dma_wait3A_409] : memref<2048x512xf32, #tpu.memory_space<hbm>> -> memref<32x512xf32, #tpu.memory_space<hbm>>
        %dma_wait3A_411 = arith.constant 0 : i32
        %dma_wait3A_412 = arith.constant 0 : i32
        %dma_wait3A_413 = tpu.memref_slice %arg6[%dma_wait3A_392, %dma_wait3A_411, %dma_wait3A_412] : memref<4x32x512xf32, #tpu.memory_space<vmem>> -> memref<1x32x512xf32, #tpu.memory_space<vmem>>
        %dma_wait3A_414 = tpu.memref_squeeze %dma_wait3A_413 : memref<1x32x512xf32, #tpu.memory_space<vmem>> -> memref<32x512xf32, #tpu.memory_space<vmem>>
        tpu.wait_dma2 semaphore(%arg14 : memref<!tpu.dma_semaphore, #tpu.memory_space<semaphore_mem>>) src(%dma_wait3A_414 : memref<32x512xf32, #tpu.memory_space<vmem>>) dst(%dma_wait3A_410 : memref<32x512xf32, #tpu.memory_space<hbm>>)
      } else {
      }
      %add3A_263 = arith.constant 1 : i32
      %add3A_264 = arith.addi %add3A_156, %add3A_263 : i32
      %add3A_265 = arith.constant 2 : i32
      %add3A_266 = arith.addi %add3A_264, %add3A_265 : i32
      %lt3A_267 = arith.constant 64 : i32
      %lt3A_268 = arith.cmpi slt, %add3A_266, %lt3A_267 : i32
      %convert_element_type3A_269 = arith.extui %lt3A_268 : i1 to i32
      %cond3A_270 = arith.constant 0 : i32
      %cond3A_271 = arith.cmpi ne, %convert_element_type3A_269, %cond3A_270 : i32
      scf.if %cond3A_271 {
        %add3A_392 = arith.constant 1 : i32
        %add3A_393 = arith.addi %add3A_156, %add3A_392 : i32
        %add3A_394 = arith.constant 2 : i32
        %add3A_395 = arith.addi %add3A_393, %add3A_394 : i32
        %mul3A_396 = arith.constant 32 : i32
        %mul3A_397 = arith.muli %add3A_395, %mul3A_396 : i32
        %add3A_398 = arith.constant 0 : i32
        %add3A_399 = arith.addi %mul3A_397, %add3A_398 : i32
        %get3A_400 = arith.index_cast %add3A_399 : i32 to index
        %get3A_401 = tpu.vector_load %arg5[%get3A_400] {strides = array<i32>} : memref<2048xi32, #tpu.memory_space<vmem>>, vector<16xi32>,
        %get3A_402 = vector.shape_cast %get3A_401 : vector<16xi32> to vector<16xi32>
        %and3A_403 = arith.constant 2047 : i32
        %and3A_404 = vector.broadcast %and3A_403 : i32 to vector<16xi32>
        %and3A_405 = arith.andi %get3A_402, %and3A_404 : vector<16xi32>
        %swap3A_406 = arith.index_cast %add3A_399 : i32 to index
        %swap3A_407 = tpu.vector_load %arg5[%swap3A_406] {strides = array<i32>} : memref<2048xi32, #tpu.memory_space<vmem>>, vector<16xi32>,
        %swap3A_408 = vector.shape_cast %swap3A_407 : vector<16xi32> to vector<16xi32>
        %swap3A_409 = vector.shape_cast %and3A_405 : vector<16xi32> to vector<16xi32>
        tpu.vector_store %arg5[%swap3A_406], %swap3A_409 {strides = array<i32>} : memref<2048xi32, #tpu.memory_space<vmem>>, vector<16xi32>,
        %mul3A_410 = arith.constant 32 : i32
        %mul3A_411 = arith.muli %add3A_395, %mul3A_410 : i32
        %add3A_412 = arith.constant 16 : i32
        %add3A_413 = arith.addi %mul3A_411, %add3A_412 : i32
        %get3A_414 = arith.index_cast %add3A_413 : i32 to index
        %get3A_415 = tpu.vector_load %arg5[%get3A_414] {strides = array<i32>} : memref<2048xi32, #tpu.memory_space<vmem>>, vector<16xi32>,
        %get3A_416 = vector.shape_cast %get3A_415 : vector<16xi32> to vector<16xi32>
        %and3A_417 = arith.constant 2047 : i32
        %and3A_418 = vector.broadcast %and3A_417 : i32 to vector<16xi32>
        %and3A_419 = arith.andi %get3A_416, %and3A_418 : vector<16xi32>
        %swap3A_420 = arith.index_cast %add3A_413 : i32 to index
        %swap3A_421 = tpu.vector_load %arg5[%swap3A_420] {strides = array<i32>} : memref<2048xi32, #tpu.memory_space<vmem>>, vector<16xi32>,
        %swap3A_422 = vector.shape_cast %swap3A_421 : vector<16xi32> to vector<16xi32>
        %swap3A_423 = vector.shape_cast %and3A_419 : vector<16xi32> to vector<16xi32>
        tpu.vector_store %arg5[%swap3A_420], %swap3A_423 {strides = array<i32>} : memref<2048xi32, #tpu.memory_space<vmem>>, vector<16xi32>,
        %add3A_424 = arith.constant 1 : i32
        %add3A_425 = arith.addi %add3A_156, %add3A_424 : i32
        %add3A_426 = arith.constant 2 : i32
        %add3A_427 = arith.addi %add3A_425, %add3A_426 : i32
        %mul3A_428 = arith.constant 32 : i32
        %mul3A_429 = arith.muli %add3A_427, %mul3A_428 : i32
        %dma_start3A_430 = arith.constant 3 : i32
        %dma_start3A_431 = arith.constant 0 : i32
        %dma_start3A_432 = arith.constant 0 : i32
        %dma_start3A_433 = tpu.memref_slice %arg6[%dma_start3A_430, %dma_start3A_431, %dma_start3A_432] : memref<4x32x512xf32, #tpu.memory_space<vmem>> -> memref<1x32x512xf32, #tpu.memory_space<vmem>>
        %dma_start3A_434 = tpu.memref_squeeze %dma_start3A_433 : memref<1x32x512xf32, #tpu.memory_space<vmem>> -> memref<32x512xf32, #tpu.memory_space<vmem>>
        %dma_start3A_435 = tpu.memref_slice %arg5[%mul3A_429] : memref<2048xi32, #tpu.memory_space<vmem>> -> memref<32xi32, #tpu.memory_space<vmem>>
        %dma_start3A_436 = arith.constant 0 : i32
        %dma_start3A_437 = arith.constant 0 : i32
        %dma_start3A_438 = tpu.memref_slice %arg2[%dma_start3A_436, %dma_start3A_437] : memref<2048x512xf32, #tpu.memory_space<hbm>> -> memref<2048x512xf32, #tpu.memory_space<hbm>>
        tpu.enqueue_indirect_dma source(%dma_start3A_438 : memref<2048x512xf32, #tpu.memory_space<hbm>>) target(%dma_start3A_434 : memref<32x512xf32, #tpu.memory_space<vmem>>) offsets(%dma_start3A_435 : memref<32xi32, #tpu.memory_space<vmem>>) semaphore(%arg10 : memref<!tpu.dma_semaphore, #tpu.memory_space<semaphore_mem>>)
      } else {
      }
      %dma_wait3A_272 = arith.constant 2 : i32
      %dma_wait3A_273 = arith.constant 0 : i32
      %dma_wait3A_274 = arith.constant 0 : i32
      %dma_wait3A_275 = tpu.memref_slice %arg6[%dma_wait3A_272, %dma_wait3A_273, %dma_wait3A_274] : memref<4x32x512xf32, #tpu.memory_space<vmem>> -> memref<1x32x512xf32, #tpu.memory_space<vmem>>
      %dma_wait3A_276 = tpu.memref_squeeze %dma_wait3A_275 : memref<1x32x512xf32, #tpu.memory_space<vmem>> -> memref<32x512xf32, #tpu.memory_space<vmem>>
      %dma_wait3A_277 = arith.constant 0 : i32
      %dma_wait3A_278 = tpu.memref_slice %arg5[%dma_wait3A_277] : memref<2048xi32, #tpu.memory_space<vmem>> -> memref<32xi32, #tpu.memory_space<vmem>>
      %dma_wait3A_279 = arith.constant 0 : i32
      %dma_wait3A_280 = arith.constant 0 : i32
      %dma_wait3A_281 = tpu.memref_slice %arg2[%dma_wait3A_279, %dma_wait3A_280] : memref<2048x512xf32, #tpu.memory_space<hbm>> -> memref<2048x512xf32, #tpu.memory_space<hbm>>
      tpu.wait_indirect_dma semaphore(%arg9 : memref<!tpu.dma_semaphore, #tpu.memory_space<semaphore_mem>>) src(%dma_wait3A_281 : memref<2048x512xf32, #tpu.memory_space<hbm>>) dst(%dma_wait3A_276 : memref<32x512xf32, #tpu.memory_space<vmem>>)
      %add3A_282 = arith.constant 2 : i32
      %add3A_283 = arith.addi %add3A_156, %add3A_282 : i32
      %mul3A_284 = arith.constant 32 : i32
      %mul3A_285 = arith.muli %add3A_283, %mul3A_284 : i32
      %dma_start3A_286 = arith.constant 2 : i32
      %dma_start3A_287 = arith.constant 0 : i32
      %dma_start3A_288 = arith.constant 0 : i32
      %dma_start3A_289 = tpu.memref_slice %arg6[%dma_start3A_286, %dma_start3A_287, %dma_start3A_288] : memref<4x32x512xf32, #tpu.memory_space<vmem>> -> memref<1x32x512xf32, #tpu.memory_space<vmem>>
      %dma_start3A_290 = tpu.memref_squeeze %dma_start3A_289 : memref<1x32x512xf32, #tpu.memory_space<vmem>> -> memref<32x512xf32, #tpu.memory_space<vmem>>
      %dma_start3A_291 = arith.constant 0 : i32
      %dma_start3A_292 = arith.constant 0 : i32
      %dma_start3A_293 = tpu.memref_slice %arg4[%add3A, %dma_start3A_291, %dma_start3A_292] : memref<32x2048x512xf32, #tpu.memory_space<hbm>> -> memref<1x2048x512xf32, #tpu.memory_space<hbm>>
      %dma_start3A_294 = tpu.memref_squeeze %dma_start3A_293 : memref<1x2048x512xf32, #tpu.memory_space<hbm>> -> memref<2048x512xf32, #tpu.memory_space<hbm>>
      %dma_start3A_295 = arith.constant 0 : i32
      %dma_start3A_296 = tpu.memref_slice %dma_start3A_294[%mul3A_285, %dma_start3A_295] : memref<2048x512xf32, #tpu.memory_space<hbm>> -> memref<32x512xf32, #tpu.memory_space<hbm>>
      %dma_start3A_297 = arith.constant 0 : i32
      %dma_start3A_298 = arith.constant 0 : i32
      %dma_start3A_299 = tpu.memref_slice %arg4[%add3A, %dma_start3A_297, %dma_start3A_298] : memref<32x2048x512xf32, #tpu.memory_space<hbm>> -> memref<1x2048x512xf32, #tpu.memory_space<hbm>>
      %dma_start3A_300 = tpu.memref_squeeze %dma_start3A_299 : memref<1x2048x512xf32, #tpu.memory_space<hbm>> -> memref<2048x512xf32, #tpu.memory_space<hbm>>
      %dma_start3A_301 = arith.constant 0 : i32
      %dma_start3A_302 = tpu.memref_slice %dma_start3A_300[%mul3A_285, %dma_start3A_301] : memref<2048x512xf32, #tpu.memory_space<hbm>> -> memref<32x512xf32, #tpu.memory_space<hbm>>
      %dma_start3A_303 = arith.constant 0 : i32
      %dma_start3A_304 = arith.constant 0 : i32
      %dma_start3A_305 = tpu.memref_slice %arg6[%dma_start3A_286, %dma_start3A_303, %dma_start3A_304] : memref<4x32x512xf32, #tpu.memory_space<vmem>> -> memref<1x32x512xf32, #tpu.memory_space<vmem>>
      %dma_start3A_306 = tpu.memref_squeeze %dma_start3A_305 : memref<1x32x512xf32, #tpu.memory_space<vmem>> -> memref<32x512xf32, #tpu.memory_space<vmem>>
      tpu.enqueue_dma source(%dma_start3A_306 : memref<32x512xf32, #tpu.memory_space<vmem>>) target(%dma_start3A_302 : memref<32x512xf32, #tpu.memory_space<hbm>>) target_semaphore(%arg13 : memref<!tpu.dma_semaphore, #tpu.memory_space<semaphore_mem>>)
      %add3A_307 = arith.constant 2 : i32
      %add3A_308 = arith.addi %add3A_156, %add3A_307 : i32
      %add3A_309 = arith.constant 2 : i32
      %add3A_310 = arith.addi %add3A_308, %add3A_309 : i32
      %lt3A_311 = arith.constant 64 : i32
      %lt3A_312 = arith.cmpi slt, %add3A_310, %lt3A_311 : i32
      %add3A_313 = arith.constant 2 : i32
      %add3A_314 = arith.addi %add3A_156, %add3A_313 : i32
      %sub3A_315 = arith.constant 2 : i32
      %sub3A_316 = arith.subi %add3A_314, %sub3A_315 : i32
      %ge3A_317 = arith.constant 0 : i32
      %ge3A_318 = arith.cmpi sge, %sub3A_316, %ge3A_317 : i32
      %and3A_319 = arith.andi %lt3A_312, %ge3A_318 : i1
      %convert_element_type3A_320 = arith.extui %and3A_319 : i1 to i32
      %cond3A_321 = arith.constant 0 : i32
      %cond3A_322 = arith.cmpi ne, %convert_element_type3A_320, %cond3A_321 : i32
      scf.if %cond3A_322 {
        %dma_wait3A_392 = arith.constant 0 : i32
        %dma_wait3A_393 = arith.constant 0 : i32
        %dma_wait3A_394 = arith.constant 0 : i32
        %dma_wait3A_395 = tpu.memref_slice %arg6[%dma_wait3A_392, %dma_wait3A_393, %dma_wait3A_394] : memref<4x32x512xf32, #tpu.memory_space<vmem>> -> memref<1x32x512xf32, #tpu.memory_space<vmem>>
        %dma_wait3A_396 = tpu.memref_squeeze %dma_wait3A_395 : memref<1x32x512xf32, #tpu.memory_space<vmem>> -> memref<32x512xf32, #tpu.memory_space<vmem>>
        %dma_wait3A_397 = arith.constant 0 : i32
        %dma_wait3A_398 = arith.constant 0 : i32
        %dma_wait3A_399 = tpu.memref_slice %arg4[%add3A, %dma_wait3A_397, %dma_wait3A_398] : memref<32x2048x512xf32, #tpu.memory_space<hbm>> -> memref<1x2048x512xf32, #tpu.memory_space<hbm>>
        %dma_wait3A_400 = tpu.memref_squeeze %dma_wait3A_399 : memref<1x2048x512xf32, #tpu.memory_space<hbm>> -> memref<2048x512xf32, #tpu.memory_space<hbm>>
        %dma_wait3A_401 = arith.constant 0 : i32
        %dma_wait3A_402 = arith.constant 0 : i32
        %dma_wait3A_403 = tpu.memref_slice %dma_wait3A_400[%dma_wait3A_401, %dma_wait3A_402] : memref<2048x512xf32, #tpu.memory_space<hbm>> -> memref<32x512xf32, #tpu.memory_space<hbm>>
        %dma_wait3A_404 = arith.constant 0 : i32
        %dma_wait3A_405 = arith.constant 0 : i32
        %dma_wait3A_406 = tpu.memref_slice %arg4[%add3A, %dma_wait3A_404, %dma_wait3A_405] : memref<32x2048x512xf32, #tpu.memory_space<hbm>> -> memref<1x2048x512xf32, #tpu.memory_space<hbm>>
        %dma_wait3A_407 = tpu.memref_squeeze %dma_wait3A_406 : memref<1x2048x512xf32, #tpu.memory_space<hbm>> -> memref<2048x512xf32, #tpu.memory_space<hbm>>
        %dma_wait3A_408 = arith.constant 0 : i32
        %dma_wait3A_409 = arith.constant 0 : i32
        %dma_wait3A_410 = tpu.memref_slice %dma_wait3A_407[%dma_wait3A_408, %dma_wait3A_409] : memref<2048x512xf32, #tpu.memory_space<hbm>> -> memref<32x512xf32, #tpu.memory_space<hbm>>
        %dma_wait3A_411 = arith.constant 0 : i32
        %dma_wait3A_412 = arith.constant 0 : i32
        %dma_wait3A_413 = tpu.memref_slice %arg6[%dma_wait3A_392, %dma_wait3A_411, %dma_wait3A_412] : memref<4x32x512xf32, #tpu.memory_space<vmem>> -> memref<1x32x512xf32, #tpu.memory_space<vmem>>
        %dma_wait3A_414 = tpu.memref_squeeze %dma_wait3A_413 : memref<1x32x512xf32, #tpu.memory_space<vmem>> -> memref<32x512xf32, #tpu.memory_space<vmem>>
        tpu.wait_dma2 semaphore(%arg11 : memref<!tpu.dma_semaphore, #tpu.memory_space<semaphore_mem>>) src(%dma_wait3A_414 : memref<32x512xf32, #tpu.memory_space<vmem>>) dst(%dma_wait3A_410 : memref<32x512xf32, #tpu.memory_space<hbm>>)
      } else {
      }
      %add3A_323 = arith.constant 2 : i32
      %add3A_324 = arith.addi %add3A_156, %add3A_323 : i32
      %add3A_325 = arith.constant 2 : i32
      %add3A_326 = arith.addi %add3A_324, %add3A_325 : i32
      %lt3A_327 = arith.constant 64 : i32
      %lt3A_328 = arith.cmpi slt, %add3A_326, %lt3A_327 : i32
      %convert_element_type3A_329 = arith.extui %lt3A_328 : i1 to i32
      %cond3A_330 = arith.constant 0 : i32
      %cond3A_331 = arith.cmpi ne, %convert_element_type3A_329, %cond3A_330 : i32
      scf.if %cond3A_331 {
        %add3A_392 = arith.constant 2 : i32
        %add3A_393 = arith.addi %add3A_156, %add3A_392 : i32
        %add3A_394 = arith.constant 2 : i32
        %add3A_395 = arith.addi %add3A_393, %add3A_394 : i32
        %mul3A_396 = arith.constant 32 : i32
        %mul3A_397 = arith.muli %add3A_395, %mul3A_396 : i32
        %add3A_398 = arith.constant 0 : i32
        %add3A_399 = arith.addi %mul3A_397, %add3A_398 : i32
        %get3A_400 = arith.index_cast %add3A_399 : i32 to index
        %get3A_401 = tpu.vector_load %arg5[%get3A_400] {strides = array<i32>} : memref<2048xi32, #tpu.memory_space<vmem>>, vector<16xi32>,
        %get3A_402 = vector.shape_cast %get3A_401 : vector<16xi32> to vector<16xi32>
        %and3A_403 = arith.constant 2047 : i32
        %and3A_404 = vector.broadcast %and3A_403 : i32 to vector<16xi32>
        %and3A_405 = arith.andi %get3A_402, %and3A_404 : vector<16xi32>
        %swap3A_406 = arith.index_cast %add3A_399 : i32 to index
        %swap3A_407 = tpu.vector_load %arg5[%swap3A_406] {strides = array<i32>} : memref<2048xi32, #tpu.memory_space<vmem>>, vector<16xi32>,
        %swap3A_408 = vector.shape_cast %swap3A_407 : vector<16xi32> to vector<16xi32>
        %swap3A_409 = vector.shape_cast %and3A_405 : vector<16xi32> to vector<16xi32>
        tpu.vector_store %arg5[%swap3A_406], %swap3A_409 {strides = array<i32>} : memref<2048xi32, #tpu.memory_space<vmem>>, vector<16xi32>,
        %mul3A_410 = arith.constant 32 : i32
        %mul3A_411 = arith.muli %add3A_395, %mul3A_410 : i32
        %add3A_412 = arith.constant 16 : i32
        %add3A_413 = arith.addi %mul3A_411, %add3A_412 : i32
        %get3A_414 = arith.index_cast %add3A_413 : i32 to index
        %get3A_415 = tpu.vector_load %arg5[%get3A_414] {strides = array<i32>} : memref<2048xi32, #tpu.memory_space<vmem>>, vector<16xi32>,
        %get3A_416 = vector.shape_cast %get3A_415 : vector<16xi32> to vector<16xi32>
        %and3A_417 = arith.constant 2047 : i32
        %and3A_418 = vector.broadcast %and3A_417 : i32 to vector<16xi32>
        %and3A_419 = arith.andi %get3A_416, %and3A_418 : vector<16xi32>
        %swap3A_420 = arith.index_cast %add3A_413 : i32 to index
        %swap3A_421 = tpu.vector_load %arg5[%swap3A_420] {strides = array<i32>} : memref<2048xi32, #tpu.memory_space<vmem>>, vector<16xi32>,
        %swap3A_422 = vector.shape_cast %swap3A_421 : vector<16xi32> to vector<16xi32>
        %swap3A_423 = vector.shape_cast %and3A_419 : vector<16xi32> to vector<16xi32>
        tpu.vector_store %arg5[%swap3A_420], %swap3A_423 {strides = array<i32>} : memref<2048xi32, #tpu.memory_space<vmem>>, vector<16xi32>,
        %add3A_424 = arith.constant 2 : i32
        %add3A_425 = arith.addi %add3A_156, %add3A_424 : i32
        %add3A_426 = arith.constant 2 : i32
        %add3A_427 = arith.addi %add3A_425, %add3A_426 : i32
        %mul3A_428 = arith.constant 32 : i32
        %mul3A_429 = arith.muli %add3A_427, %mul3A_428 : i32
        %dma_start3A_430 = arith.constant 0 : i32
        %dma_start3A_431 = arith.constant 0 : i32
        %dma_start3A_432 = arith.constant 0 : i32
        %dma_start3A_433 = tpu.memref_slice %arg6[%dma_start3A_430, %dma_start3A_431, %dma_start3A_432] : memref<4x32x512xf32, #tpu.memory_space<vmem>> -> memref<1x32x512xf32, #tpu.memory_space<vmem>>
        %dma_start3A_434 = tpu.memref_squeeze %dma_start3A_433 : memref<1x32x512xf32, #tpu.memory_space<vmem>> -> memref<32x512xf32, #tpu.memory_space<vmem>>
        %dma_start3A_435 = tpu.memref_slice %arg5[%mul3A_429] : memref<2048xi32, #tpu.memory_space<vmem>> -> memref<32xi32, #tpu.memory_space<vmem>>
        %dma_start3A_436 = arith.constant 0 : i32
        %dma_start3A_437 = arith.constant 0 : i32
        %dma_start3A_438 = tpu.memref_slice %arg2[%dma_start3A_436, %dma_start3A_437] : memref<2048x512xf32, #tpu.memory_space<hbm>> -> memref<2048x512xf32, #tpu.memory_space<hbm>>
        tpu.enqueue_indirect_dma source(%dma_start3A_438 : memref<2048x512xf32, #tpu.memory_space<hbm>>) target(%dma_start3A_434 : memref<32x512xf32, #tpu.memory_space<vmem>>) offsets(%dma_start3A_435 : memref<32xi32, #tpu.memory_space<vmem>>) semaphore(%arg7 : memref<!tpu.dma_semaphore, #tpu.memory_space<semaphore_mem>>)
      } else {
      }
      %dma_wait3A_332 = arith.constant 3 : i32
      %dma_wait3A_333 = arith.constant 0 : i32
      %dma_wait3A_334 = arith.constant 0 : i32
      %dma_wait3A_335 = tpu.memref_slice %arg6[%dma_wait3A_332, %dma_wait3A_333, %dma_wait3A_334] : memref<4x32x512xf32, #tpu.memory_space<vmem>> -> memref<1x32x512xf32, #tpu.memory_space<vmem>>
      %dma_wait3A_336 = tpu.memref_squeeze %dma_wait3A_335 : memref<1x32x512xf32, #tpu.memory_space<vmem>> -> memref<32x512xf32, #tpu.memory_space<vmem>>
      %dma_wait3A_337 = arith.constant 0 : i32
      %dma_wait3A_338 = tpu.memref_slice %arg5[%dma_wait3A_337] : memref<2048xi32, #tpu.memory_space<vmem>> -> memref<32xi32, #tpu.memory_space<vmem>>
      %dma_wait3A_339 = arith.constant 0 : i32
      %dma_wait3A_340 = arith.constant 0 : i32
      %dma_wait3A_341 = tpu.memref_slice %arg2[%dma_wait3A_339, %dma_wait3A_340] : memref<2048x512xf32, #tpu.memory_space<hbm>> -> memref<2048x512xf32, #tpu.memory_space<hbm>>
      tpu.wait_indirect_dma semaphore(%arg10 : memref<!tpu.dma_semaphore, #tpu.memory_space<semaphore_mem>>) src(%dma_wait3A_341 : memref<2048x512xf32, #tpu.memory_space<hbm>>) dst(%dma_wait3A_336 : memref<32x512xf32, #tpu.memory_space<vmem>>)
      %add3A_342 = arith.constant 3 : i32
      %add3A_343 = arith.addi %add3A_156, %add3A_342 : i32
      %mul3A_344 = arith.constant 32 : i32
      %mul3A_345 = arith.muli %add3A_343, %mul3A_344 : i32
      %dma_start3A_346 = arith.constant 3 : i32
      %dma_start3A_347 = arith.constant 0 : i32
      %dma_start3A_348 = arith.constant 0 : i32
      %dma_start3A_349 = tpu.memref_slice %arg6[%dma_start3A_346, %dma_start3A_347, %dma_start3A_348] : memref<4x32x512xf32, #tpu.memory_space<vmem>> -> memref<1x32x512xf32, #tpu.memory_space<vmem>>
      %dma_start3A_350 = tpu.memref_squeeze %dma_start3A_349 : memref<1x32x512xf32, #tpu.memory_space<vmem>> -> memref<32x512xf32, #tpu.memory_space<vmem>>
      %dma_start3A_351 = arith.constant 0 : i32
      %dma_start3A_352 = arith.constant 0 : i32
      %dma_start3A_353 = tpu.memref_slice %arg4[%add3A, %dma_start3A_351, %dma_start3A_352] : memref<32x2048x512xf32, #tpu.memory_space<hbm>> -> memref<1x2048x512xf32, #tpu.memory_space<hbm>>
      %dma_start3A_354 = tpu.memref_squeeze %dma_start3A_353 : memref<1x2048x512xf32, #tpu.memory_space<hbm>> -> memref<2048x512xf32, #tpu.memory_space<hbm>>
      %dma_start3A_355 = arith.constant 0 : i32
      %dma_start3A_356 = tpu.memref_slice %dma_start3A_354[%mul3A_345, %dma_start3A_355] : memref<2048x512xf32, #tpu.memory_space<hbm>> -> memref<32x512xf32, #tpu.memory_space<hbm>>
      %dma_start3A_357 = arith.constant 0 : i32
      %dma_start3A_358 = arith.constant 0 : i32
      %dma_start3A_359 = tpu.memref_slice %arg4[%add3A, %dma_start3A_357, %dma_start3A_358] : memref<32x2048x512xf32, #tpu.memory_space<hbm>> -> memref<1x2048x512xf32, #tpu.memory_space<hbm>>
      %dma_start3A_360 = tpu.memref_squeeze %dma_start3A_359 : memref<1x2048x512xf32, #tpu.memory_space<hbm>> -> memref<2048x512xf32, #tpu.memory_space<hbm>>
      %dma_start3A_361 = arith.constant 0 : i32
      %dma_start3A_362 = tpu.memref_slice %dma_start3A_360[%mul3A_345, %dma_start3A_361] : memref<2048x512xf32, #tpu.memory_space<hbm>> -> memref<32x512xf32, #tpu.memory_space<hbm>>
      %dma_start3A_363 = arith.constant 0 : i32
      %dma_start3A_364 = arith.constant 0 : i32
      %dma_start3A_365 = tpu.memref_slice %arg6[%dma_start3A_346, %dma_start3A_363, %dma_start3A_364] : memref<4x32x512xf32, #tpu.memory_space<vmem>> -> memref<1x32x512xf32, #tpu.memory_space<vmem>>
      %dma_start3A_366 = tpu.memref_squeeze %dma_start3A_365 : memref<1x32x512xf32, #tpu.memory_space<vmem>> -> memref<32x512xf32, #tpu.memory_space<vmem>>
      tpu.enqueue_dma source(%dma_start3A_366 : memref<32x512xf32, #tpu.memory_space<vmem>>) target(%dma_start3A_362 : memref<32x512xf32, #tpu.memory_space<hbm>>) target_semaphore(%arg14 : memref<!tpu.dma_semaphore, #tpu.memory_space<semaphore_mem>>)
      %add3A_367 = arith.constant 3 : i32
      %add3A_368 = arith.addi %add3A_156, %add3A_367 : i32
      %add3A_369 = arith.constant 2 : i32
      %add3A_370 = arith.addi %add3A_368, %add3A_369 : i32
      %lt3A_371 = arith.constant 64 : i32
      %lt3A_372 = arith.cmpi slt, %add3A_370, %lt3A_371 : i32
      %add3A_373 = arith.constant 3 : i32
      %add3A_374 = arith.addi %add3A_156, %add3A_373 : i32
      %sub3A_375 = arith.constant 2 : i32
      %sub3A_376 = arith.subi %add3A_374, %sub3A_375 : i32
      %ge3A_377 = arith.constant 0 : i32
      %ge3A_378 = arith.cmpi sge, %sub3A_376, %ge3A_377 : i32
      %and3A_379 = arith.andi %lt3A_372, %ge3A_378 : i1
      %convert_element_type3A_380 = arith.extui %and3A_379 : i1 to i32
      %cond3A_381 = arith.constant 0 : i32
      %cond3A_382 = arith.cmpi ne, %convert_element_type3A_380, %cond3A_381 : i32
      scf.if %cond3A_382 {
        %dma_wait3A_392 = arith.constant 1 : i32
        %dma_wait3A_393 = arith.constant 0 : i32
        %dma_wait3A_394 = arith.constant 0 : i32
        %dma_wait3A_395 = tpu.memref_slice %arg6[%dma_wait3A_392, %dma_wait3A_393, %dma_wait3A_394] : memref<4x32x512xf32, #tpu.memory_space<vmem>> -> memref<1x32x512xf32, #tpu.memory_space<vmem>>
        %dma_wait3A_396 = tpu.memref_squeeze %dma_wait3A_395 : memref<1x32x512xf32, #tpu.memory_space<vmem>> -> memref<32x512xf32, #tpu.memory_space<vmem>>
        %dma_wait3A_397 = arith.constant 0 : i32
        %dma_wait3A_398 = arith.constant 0 : i32
        %dma_wait3A_399 = tpu.memref_slice %arg4[%add3A, %dma_wait3A_397, %dma_wait3A_398] : memref<32x2048x512xf32, #tpu.memory_space<hbm>> -> memref<1x2048x512xf32, #tpu.memory_space<hbm>>
        %dma_wait3A_400 = tpu.memref_squeeze %dma_wait3A_399 : memref<1x2048x512xf32, #tpu.memory_space<hbm>> -> memref<2048x512xf32, #tpu.memory_space<hbm>>
        %dma_wait3A_401 = arith.constant 0 : i32
        %dma_wait3A_402 = arith.constant 0 : i32
        %dma_wait3A_403 = tpu.memref_slice %dma_wait3A_400[%dma_wait3A_401, %dma_wait3A_402] : memref<2048x512xf32, #tpu.memory_space<hbm>> -> memref<32x512xf32, #tpu.memory_space<hbm>>
        %dma_wait3A_404 = arith.constant 0 : i32
        %dma_wait3A_405 = arith.constant 0 : i32
        %dma_wait3A_406 = tpu.memref_slice %arg4[%add3A, %dma_wait3A_404, %dma_wait3A_405] : memref<32x2048x512xf32, #tpu.memory_space<hbm>> -> memref<1x2048x512xf32, #tpu.memory_space<hbm>>
        %dma_wait3A_407 = tpu.memref_squeeze %dma_wait3A_406 : memref<1x2048x512xf32, #tpu.memory_space<hbm>> -> memref<2048x512xf32, #tpu.memory_space<hbm>>
        %dma_wait3A_408 = arith.constant 0 : i32
        %dma_wait3A_409 = arith.constant 0 : i32
        %dma_wait3A_410 = tpu.memref_slice %dma_wait3A_407[%dma_wait3A_408, %dma_wait3A_409] : memref<2048x512xf32, #tpu.memory_space<hbm>> -> memref<32x512xf32, #tpu.memory_space<hbm>>
        %dma_wait3A_411 = arith.constant 0 : i32
        %dma_wait3A_412 = arith.constant 0 : i32
        %dma_wait3A_413 = tpu.memref_slice %arg6[%dma_wait3A_392, %dma_wait3A_411, %dma_wait3A_412] : memref<4x32x512xf32, #tpu.memory_space<vmem>> -> memref<1x32x512xf32, #tpu.memory_space<vmem>>
        %dma_wait3A_414 = tpu.memref_squeeze %dma_wait3A_413 : memref<1x32x512xf32, #tpu.memory_space<vmem>> -> memref<32x512xf32, #tpu.memory_space<vmem>>
        tpu.wait_dma2 semaphore(%arg12 : memref<!tpu.dma_semaphore, #tpu.memory_space<semaphore_mem>>) src(%dma_wait3A_414 : memref<32x512xf32, #tpu.memory_space<vmem>>) dst(%dma_wait3A_410 : memref<32x512xf32, #tpu.memory_space<hbm>>)
      } else {
      }
      %add3A_383 = arith.constant 3 : i32
      %add3A_384 = arith.addi %add3A_156, %add3A_383 : i32
      %add3A_385 = arith.constant 2 : i32
      %add3A_386 = arith.addi %add3A_384, %add3A_385 : i32
      %lt3A_387 = arith.constant 64 : i32
      %lt3A_388 = arith.cmpi slt, %add3A_386, %lt3A_387 : i32
      %convert_element_type3A_389 = arith.extui %lt3A_388 : i1 to i32
      %cond3A_390 = arith.constant 0 : i32
      %cond3A_391 = arith.cmpi ne, %convert_element_type3A_389, %cond3A_390 : i32
      scf.if %cond3A_391 {
        %add3A_392 = arith.constant 3 : i32
        %add3A_393 = arith.addi %add3A_156, %add3A_392 : i32
        %add3A_394 = arith.constant 2 : i32
        %add3A_395 = arith.addi %add3A_393, %add3A_394 : i32
        %mul3A_396 = arith.constant 32 : i32
        %mul3A_397 = arith.muli %add3A_395, %mul3A_396 : i32
        %add3A_398 = arith.constant 0 : i32
        %add3A_399 = arith.addi %mul3A_397, %add3A_398 : i32
        %get3A_400 = arith.index_cast %add3A_399 : i32 to index
        %get3A_401 = tpu.vector_load %arg5[%get3A_400] {strides = array<i32>} : memref<2048xi32, #tpu.memory_space<vmem>>, vector<16xi32>,
        %get3A_402 = vector.shape_cast %get3A_401 : vector<16xi32> to vector<16xi32>
        %and3A_403 = arith.constant 2047 : i32
        %and3A_404 = vector.broadcast %and3A_403 : i32 to vector<16xi32>
        %and3A_405 = arith.andi %get3A_402, %and3A_404 : vector<16xi32>
        %swap3A_406 = arith.index_cast %add3A_399 : i32 to index
        %swap3A_407 = tpu.vector_load %arg5[%swap3A_406] {strides = array<i32>} : memref<2048xi32, #tpu.memory_space<vmem>>, vector<16xi32>,
        %swap3A_408 = vector.shape_cast %swap3A_407 : vector<16xi32> to vector<16xi32>
        %swap3A_409 = vector.shape_cast %and3A_405 : vector<16xi32> to vector<16xi32>
        tpu.vector_store %arg5[%swap3A_406], %swap3A_409 {strides = array<i32>} : memref<2048xi32, #tpu.memory_space<vmem>>, vector<16xi32>,
        %mul3A_410 = arith.constant 32 : i32
        %mul3A_411 = arith.muli %add3A_395, %mul3A_410 : i32
        %add3A_412 = arith.constant 16 : i32
        %add3A_413 = arith.addi %mul3A_411, %add3A_412 : i32
        %get3A_414 = arith.index_cast %add3A_413 : i32 to index
        %get3A_415 = tpu.vector_load %arg5[%get3A_414] {strides = array<i32>} : memref<2048xi32, #tpu.memory_space<vmem>>, vector<16xi32>,
        %get3A_416 = vector.shape_cast %get3A_415 : vector<16xi32> to vector<16xi32>
        %and3A_417 = arith.constant 2047 : i32
        %and3A_418 = vector.broadcast %and3A_417 : i32 to vector<16xi32>
        %and3A_419 = arith.andi %get3A_416, %and3A_418 : vector<16xi32>
        %swap3A_420 = arith.index_cast %add3A_413 : i32 to index
        %swap3A_421 = tpu.vector_load %arg5[%swap3A_420] {strides = array<i32>} : memref<2048xi32, #tpu.memory_space<vmem>>, vector<16xi32>,
        %swap3A_422 = vector.shape_cast %swap3A_421 : vector<16xi32> to vector<16xi32>
        %swap3A_423 = vector.shape_cast %and3A_419 : vector<16xi32> to vector<16xi32>
        tpu.vector_store %arg5[%swap3A_420], %swap3A_423 {strides = array<i32>} : memref<2048xi32, #tpu.memory_space<vmem>>, vector<16xi32>,
        %add3A_424 = arith.constant 3 : i32
        %add3A_425 = arith.addi %add3A_156, %add3A_424 : i32
        %add3A_426 = arith.constant 2 : i32
        %add3A_427 = arith.addi %add3A_425, %add3A_426 : i32
        %mul3A_428 = arith.constant 32 : i32
        %mul3A_429 = arith.muli %add3A_427, %mul3A_428 : i32
        %dma_start3A_430 = arith.constant 1 : i32
        %dma_start3A_431 = arith.constant 0 : i32
        %dma_start3A_432 = arith.constant 0 : i32
        %dma_start3A_433 = tpu.memref_slice %arg6[%dma_start3A_430, %dma_start3A_431, %dma_start3A_432] : memref<4x32x512xf32, #tpu.memory_space<vmem>> -> memref<1x32x512xf32, #tpu.memory_space<vmem>>
        %dma_start3A_434 = tpu.memref_squeeze %dma_start3A_433 : memref<1x32x512xf32, #tpu.memory_space<vmem>> -> memref<32x512xf32, #tpu.memory_space<vmem>>
        %dma_start3A_435 = tpu.memref_slice %arg5[%mul3A_429] : memref<2048xi32, #tpu.memory_space<vmem>> -> memref<32xi32, #tpu.memory_space<vmem>>
        %dma_start3A_436 = arith.constant 0 : i32
        %dma_start3A_437 = arith.constant 0 : i32
        %dma_start3A_438 = tpu.memref_slice %arg2[%dma_start3A_436, %dma_start3A_437] : memref<2048x512xf32, #tpu.memory_space<hbm>> -> memref<2048x512xf32, #tpu.memory_space<hbm>>
        tpu.enqueue_indirect_dma source(%dma_start3A_438 : memref<2048x512xf32, #tpu.memory_space<hbm>>) target(%dma_start3A_434 : memref<32x512xf32, #tpu.memory_space<vmem>>) offsets(%dma_start3A_435 : memref<32xi32, #tpu.memory_space<vmem>>) semaphore(%arg8 : memref<!tpu.dma_semaphore, #tpu.memory_space<semaphore_mem>>)
      } else {
      }
    }
    %scan3A_60 = arith.constant 16 : i32
    %dma_wait3A = arith.constant 0 : i32
    %dma_wait3A_61 = arith.constant 0 : i32
    %dma_wait3A_62 = arith.constant 0 : i32
    %dma_wait3A_63 = tpu.memref_slice %arg6[%dma_wait3A, %dma_wait3A_61, %dma_wait3A_62] : memref<4x32x512xf32, #tpu.memory_space<vmem>> -> memref<1x32x512xf32, #tpu.memory_space<vmem>>
    %dma_wait3A_64 = tpu.memref_squeeze %dma_wait3A_63 : memref<1x32x512xf32, #tpu.memory_space<vmem>> -> memref<32x512xf32, #tpu.memory_space<vmem>>
    %dma_wait3A_65 = arith.constant 0 : i32
    %dma_wait3A_66 = arith.constant 0 : i32
    %dma_wait3A_67 = tpu.memref_slice %arg4[%add3A, %dma_wait3A_65, %dma_wait3A_66] : memref<32x2048x512xf32, #tpu.memory_space<hbm>> -> memref<1x2048x512xf32, #tpu.memory_space<hbm>>
    %dma_wait3A_68 = tpu.memref_squeeze %dma_wait3A_67 : memref<1x2048x512xf32, #tpu.memory_space<hbm>> -> memref<2048x512xf32, #tpu.memory_space<hbm>>
    %dma_wait3A_69 = arith.constant 0 : i32
    %dma_wait3A_70 = arith.constant 0 : i32
    %dma_wait3A_71 = tpu.memref_slice %dma_wait3A_68[%dma_wait3A_69, %dma_wait3A_70] : memref<2048x512xf32, #tpu.memory_space<hbm>> -> memref<32x512xf32, #tpu.memory_space<hbm>>
    %dma_wait3A_72 = arith.constant 0 : i32
    %dma_wait3A_73 = arith.constant 0 : i32
    %dma_wait3A_74 = tpu.memref_slice %arg4[%add3A, %dma_wait3A_72, %dma_wait3A_73] : memref<32x2048x512xf32, #tpu.memory_space<hbm>> -> memref<1x2048x512xf32, #tpu.memory_space<hbm>>
    %dma_wait3A_75 = tpu.memref_squeeze %dma_wait3A_74 : memref<1x2048x512xf32, #tpu.memory_space<hbm>> -> memref<2048x512xf32, #tpu.memory_space<hbm>>
    %dma_wait3A_76 = arith.constant 0 : i32
    %dma_wait3A_77 = arith.constant 0 : i32
    %dma_wait3A_78 = tpu.memref_slice %dma_wait3A_75[%dma_wait3A_76, %dma_wait3A_77] : memref<2048x512xf32, #tpu.memory_space<hbm>> -> memref<32x512xf32, #tpu.memory_space<hbm>>
    %dma_wait3A_79 = arith.constant 0 : i32
    %dma_wait3A_80 = arith.constant 0 : i32
    %dma_wait3A_81 = tpu.memref_slice %arg6[%dma_wait3A, %dma_wait3A_79, %dma_wait3A_80] : memref<4x32x512xf32, #tpu.memory_space<vmem>> -> memref<1x32x512xf32, #tpu.memory_space<vmem>>
    %dma_wait3A_82 = tpu.memref_squeeze %dma_wait3A_81 : memref<1x32x512xf32, #tpu.memory_space<vmem>> -> memref<32x512xf32, #tpu.memory_space<vmem>>
    tpu.wait_dma2 semaphore(%arg11 : memref<!tpu.dma_semaphore, #tpu.memory_space<semaphore_mem>>) src(%dma_wait3A_82 : memref<32x512xf32, #tpu.memory_space<vmem>>) dst(%dma_wait3A_78 : memref<32x512xf32, #tpu.memory_space<hbm>>)
    %dma_wait3A_83 = arith.constant 1 : i32
    %dma_wait3A_84 = arith.constant 0 : i32
    %dma_wait3A_85 = arith.constant 0 : i32
    %dma_wait3A_86 = tpu.memref_slice %arg6[%dma_wait3A_83, %dma_wait3A_84, %dma_wait3A_85] : memref<4x32x512xf32, #tpu.memory_space<vmem>> -> memref<1x32x512xf32, #tpu.memory_space<vmem>>
    %dma_wait3A_87 = tpu.memref_squeeze %dma_wait3A_86 : memref<1x32x512xf32, #tpu.memory_space<vmem>> -> memref<32x512xf32, #tpu.memory_space<vmem>>
    %dma_wait3A_88 = arith.constant 0 : i32
    %dma_wait3A_89 = arith.constant 0 : i32
    %dma_wait3A_90 = tpu.memref_slice %arg4[%add3A, %dma_wait3A_88, %dma_wait3A_89] : memref<32x2048x512xf32, #tpu.memory_space<hbm>> -> memref<1x2048x512xf32, #tpu.memory_space<hbm>>
    %dma_wait3A_91 = tpu.memref_squeeze %dma_wait3A_90 : memref<1x2048x512xf32, #tpu.memory_space<hbm>> -> memref<2048x512xf32, #tpu.memory_space<hbm>>
    %dma_wait3A_92 = arith.constant 0 : i32
    %dma_wait3A_93 = arith.constant 0 : i32
    %dma_wait3A_94 = tpu.memref_slice %dma_wait3A_91[%dma_wait3A_92, %dma_wait3A_93] : memref<2048x512xf32, #tpu.memory_space<hbm>> -> memref<32x512xf32, #tpu.memory_space<hbm>>
    %dma_wait3A_95 = arith.constant 0 : i32
    %dma_wait3A_96 = arith.constant 0 : i32
    %dma_wait3A_97 = tpu.memref_slice %arg4[%add3A, %dma_wait3A_95, %dma_wait3A_96] : memref<32x2048x512xf32, #tpu.memory_space<hbm>> -> memref<1x2048x512xf32, #tpu.memory_space<hbm>>
    %dma_wait3A_98 = tpu.memref_squeeze %dma_wait3A_97 : memref<1x2048x512xf32, #tpu.memory_space<hbm>> -> memref<2048x512xf32, #tpu.memory_space<hbm>>
    %dma_wait3A_99 = arith.constant 0 : i32
    %dma_wait3A_100 = arith.constant 0 : i32
    %dma_wait3A_101 = tpu.memref_slice %dma_wait3A_98[%dma_wait3A_99, %dma_wait3A_100] : memref<2048x512xf32, #tpu.memory_space<hbm>> -> memref<32x512xf32, #tpu.memory_space<hbm>>
    %dma_wait3A_102 = arith.constant 0 : i32
    %dma_wait3A_103 = arith.constant 0 : i32
    %dma_wait3A_104 = tpu.memref_slice %arg6[%dma_wait3A_83, %dma_wait3A_102, %dma_wait3A_103] : memref<4x32x512xf32, #tpu.memory_space<vmem>> -> memref<1x32x512xf32, #tpu.memory_space<vmem>>
    %dma_wait3A_105 = tpu.memref_squeeze %dma_wait3A_104 : memref<1x32x512xf32, #tpu.memory_space<vmem>> -> memref<32x512xf32, #tpu.memory_space<vmem>>
    tpu.wait_dma2 semaphore(%arg12 : memref<!tpu.dma_semaphore, #tpu.memory_space<semaphore_mem>>) src(%dma_wait3A_105 : memref<32x512xf32, #tpu.memory_space<vmem>>) dst(%dma_wait3A_101 : memref<32x512xf32, #tpu.memory_space<hbm>>)
    %dma_wait3A_106 = arith.constant 2 : i32
    %dma_wait3A_107 = arith.constant 0 : i32
    %dma_wait3A_108 = arith.constant 0 : i32
    %dma_wait3A_109 = tpu.memref_slice %arg6[%dma_wait3A_106, %dma_wait3A_107, %dma_wait3A_108] : memref<4x32x512xf32, #tpu.memory_space<vmem>> -> memref<1x32x512xf32, #tpu.memory_space<vmem>>
    %dma_wait3A_110 = tpu.memref_squeeze %dma_wait3A_109 : memref<1x32x512xf32, #tpu.memory_space<vmem>> -> memref<32x512xf32, #tpu.memory_space<vmem>>
    %dma_wait3A_111 = arith.constant 0 : i32
    %dma_wait3A_112 = arith.constant 0 : i32
    %dma_wait3A_113 = tpu.memref_slice %arg4[%add3A, %dma_wait3A_111, %dma_wait3A_112] : memref<32x2048x512xf32, #tpu.memory_space<hbm>> -> memref<1x2048x512xf32, #tpu.memory_space<hbm>>
    %dma_wait3A_114 = tpu.memref_squeeze %dma_wait3A_113 : memref<1x2048x512xf32, #tpu.memory_space<hbm>> -> memref<2048x512xf32, #tpu.memory_space<hbm>>
    %dma_wait3A_115 = arith.constant 0 : i32
    %dma_wait3A_116 = arith.constant 0 : i32
    %dma_wait3A_117 = tpu.memref_slice %dma_wait3A_114[%dma_wait3A_115, %dma_wait3A_116] : memref<2048x512xf32, #tpu.memory_space<hbm>> -> memref<32x512xf32, #tpu.memory_space<hbm>>
    %dma_wait3A_118 = arith.constant 0 : i32
    %dma_wait3A_119 = arith.constant 0 : i32
    %dma_wait3A_120 = tpu.memref_slice %arg4[%add3A, %dma_wait3A_118, %dma_wait3A_119] : memref<32x2048x512xf32, #tpu.memory_space<hbm>> -> memref<1x2048x512xf32, #tpu.memory_space<hbm>>
    %dma_wait3A_121 = tpu.memref_squeeze %dma_wait3A_120 : memref<1x2048x512xf32, #tpu.memory_space<hbm>> -> memref<2048x512xf32, #tpu.memory_space<hbm>>
    %dma_wait3A_122 = arith.constant 0 : i32
    %dma_wait3A_123 = arith.constant 0 : i32
    %dma_wait3A_124 = tpu.memref_slice %dma_wait3A_121[%dma_wait3A_122, %dma_wait3A_123] : memref<2048x512xf32, #tpu.memory_space<hbm>> -> memref<32x512xf32, #tpu.memory_space<hbm>>
    %dma_wait3A_125 = arith.constant 0 : i32
    %dma_wait3A_126 = arith.constant 0 : i32
    %dma_wait3A_127 = tpu.memref_slice %arg6[%dma_wait3A_106, %dma_wait3A_125, %dma_wait3A_126] : memref<4x32x512xf32, #tpu.memory_space<vmem>> -> memref<1x32x512xf32, #tpu.memory_space<vmem>>
    %dma_wait3A_128 = tpu.memref_squeeze %dma_wait3A_127 : memref<1x32x512xf32, #tpu.memory_space<vmem>> -> memref<32x512xf32, #tpu.memory_space<vmem>>
    tpu.wait_dma2 semaphore(%arg13 : memref<!tpu.dma_semaphore, #tpu.memory_space<semaphore_mem>>) src(%dma_wait3A_128 : memref<32x512xf32, #tpu.memory_space<vmem>>) dst(%dma_wait3A_124 : memref<32x512xf32, #tpu.memory_space<hbm>>)
    %dma_wait3A_129 = arith.constant 3 : i32
    %dma_wait3A_130 = arith.constant 0 : i32
    %dma_wait3A_131 = arith.constant 0 : i32
    %dma_wait3A_132 = tpu.memref_slice %arg6[%dma_wait3A_129, %dma_wait3A_130, %dma_wait3A_131] : memref<4x32x512xf32, #tpu.memory_space<vmem>> -> memref<1x32x512xf32, #tpu.memory_space<vmem>>
    %dma_wait3A_133 = tpu.memref_squeeze %dma_wait3A_132 : memref<1x32x512xf32, #tpu.memory_space<vmem>> -> memref<32x512xf32, #tpu.memory_space<vmem>>
    %dma_wait3A_134 = arith.constant 0 : i32
    %dma_wait3A_135 = arith.constant 0 : i32
    %dma_wait3A_136 = tpu.memref_slice %arg4[%add3A, %dma_wait3A_134, %dma_wait3A_135] : memref<32x2048x512xf32, #tpu.memory_space<hbm>> -> memref<1x2048x512xf32, #tpu.memory_space<hbm>>
    %dma_wait3A_137 = tpu.memref_squeeze %dma_wait3A_136 : memref<1x2048x512xf32, #tpu.memory_space<hbm>> -> memref<2048x512xf32, #tpu.memory_space<hbm>>
    %dma_wait3A_138 = arith.constant 0 : i32
    %dma_wait3A_139 = arith.constant 0 : i32
    %dma_wait3A_140 = tpu.memref_slice %dma_wait3A_137[%dma_wait3A_138, %dma_wait3A_139] : memref<2048x512xf32, #tpu.memory_space<hbm>> -> memref<32x512xf32, #tpu.memory_space<hbm>>
    %dma_wait3A_141 = arith.constant 0 : i32
    %dma_wait3A_142 = arith.constant 0 : i32
    %dma_wait3A_143 = tpu.memref_slice %arg4[%add3A, %dma_wait3A_141, %dma_wait3A_142] : memref<32x2048x512xf32, #tpu.memory_space<hbm>> -> memref<1x2048x512xf32, #tpu.memory_space<hbm>>
    %dma_wait3A_144 = tpu.memref_squeeze %dma_wait3A_143 : memref<1x2048x512xf32, #tpu.memory_space<hbm>> -> memref<2048x512xf32, #tpu.memory_space<hbm>>
    %dma_wait3A_145 = arith.constant 0 : i32
    %dma_wait3A_146 = arith.constant 0 : i32
    %dma_wait3A_147 = tpu.memref_slice %dma_wait3A_144[%dma_wait3A_145, %dma_wait3A_146] : memref<2048x512xf32, #tpu.memory_space<hbm>> -> memref<32x512xf32, #tpu.memory_space<hbm>>
    %dma_wait3A_148 = arith.constant 0 : i32
    %dma_wait3A_149 = arith.constant 0 : i32
    %dma_wait3A_150 = tpu.memref_slice %arg6[%dma_wait3A_129, %dma_wait3A_148, %dma_wait3A_149] : memref<4x32x512xf32, #tpu.memory_space<vmem>> -> memref<1x32x512xf32, #tpu.memory_space<vmem>>
    %dma_wait3A_151 = tpu.memref_squeeze %dma_wait3A_150 : memref<1x32x512xf32, #tpu.memory_space<vmem>> -> memref<32x512xf32, #tpu.memory_space<vmem>>
    tpu.wait_dma2 semaphore(%arg14 : memref<!tpu.dma_semaphore, #tpu.memory_space<semaphore_mem>>) src(%dma_wait3A_151 : memref<32x512xf32, #tpu.memory_space<vmem>>) dst(%dma_wait3A_147 : memref<32x512xf32, #tpu.memory_space<hbm>>)
    return
  }
}

module attributes {stable_mosaic.version = 14 : i64} {
  func.func @mm(%arg0: i32, %arg1: i32, %arg2: memref<1x1024x256xf32, #tpu.memory_space<vmem>>, %arg3: memref<512x256xf32, #tpu.memory_space<vmem>>, %arg4: memref<1x1024x512xf32, #tpu.memory_space<vmem>>) attributes {dimension_semantics = [#tpu.dimension_semantics<arbitrary>, #tpu.dimension_semantics<arbitrary>], iteration_bounds = array<i64: 32, 2>, scalar_prefetch = 0 : i64, scratch_operands = 0 : i64, tpu.core_type = #tpu.core_type<tc>, window_params = [{transform_indices = @transform_0, window_bounds = array<i64: 1, 1024, 256>}, {pipeline_mode = #tpu.pipeline_mode<synchronous>, transform_indices = @transform_1, window_bounds = array<i64: 512, 256>}, {transform_indices = @transform_2, window_bounds = array<i64: 1, 1024, 512>}]} {
    %get3A = arith.constant 0 : index
    %get3A_0 = arith.constant 0 : index
    %get3A_1 = arith.constant 0 : index
    %get3A_2 = vector.load %arg2[%get3A, %get3A_0, %get3A_1] : memref<1x1024x256xf32, #tpu.memory_space<vmem>>, vector<1x1024x256xf32>
    %get3A_3 = vector.shape_cast %get3A_2 : vector<1x1024x256xf32> to vector<1024x256xf32>
    %get3A_4 = arith.constant 0 : index
    %get3A_5 = arith.constant 0 : index
    %get3A_6 = vector.load %arg3[%get3A_4, %get3A_5] : memref<512x256xf32, #tpu.memory_space<vmem>>, vector<512x256xf32>
    %dot_general3A = arith.constant dense<0.000000e+00> : vector<1024x512xf32>
    %dot_general3A_7 = tpu.matmul %get3A_3, %get3A_6, %dot_general3A {dimension_numbers = #tpu.dot_dimension_numbers<[1], [1], [0], [0], [0, 0, 1, 0], [], []>, transpose_lhs_hint = false} : vector<1024x256xf32>, vector<512x256xf32>, vector<1024x512xf32> -> vector<1024x512xf32>
    %swap3A = arith.constant 0 : index
    %swap3A_8 = arith.constant 0 : index
    %swap3A_9 = arith.constant 0 : index
    %swap3A_10 = vector.load %arg4[%swap3A, %swap3A_8, %swap3A_9] : memref<1x1024x512xf32, #tpu.memory_space<vmem>>, vector<1x1024x512xf32>
    %swap3A_11 = vector.shape_cast %swap3A_10 : vector<1x1024x512xf32> to vector<1024x512xf32>
    %swap3A_12 = vector.shape_cast %dot_general3A_7 : vector<1024x512xf32> to vector<1x1024x512xf32>
    tpu.vector_store %arg4[%swap3A, %swap3A_8, %swap3A_9], %swap3A_12 {strides = array<i32>} : memref<1x1024x512xf32, #tpu.memory_space<vmem>>, vector<1x1024x512xf32>,
    return
  }
  func.func @transform_0(%arg0: i32, %arg1: i32) -> (i32, i32, i32) {
    %c0_i32 = arith.constant 0 : i32
    %c0_i32_0 = arith.constant 0 : i32
    return %arg0, %arg1, %c0_i32 : i32, i32, i32
  }
  func.func @transform_1(%arg0: i32, %arg1: i32) -> (i32, i32) {
    %c0_i32 = arith.constant 0 : i32
    %c0_i32_0 = arith.constant 0 : i32
    %c0_i32_1 = arith.constant 0 : i32
    return %c0_i32, %c0_i32_0 : i32, i32
  }
  func.func @transform_2(%arg0: i32, %arg1: i32) -> (i32, i32, i32) {
    %c0_i32 = arith.constant 0 : i32
    %c0_i32_0 = arith.constant 0 : i32
    return %arg0, %arg1, %c0_i32 : i32, i32, i32
  }
}

</mosaic_0001>

<sc_bundles>
// kernel: kernel.4.cloned.1.call-start
scs
__scs_entry_jumppad:
0x0: {  	(pc) =	sbr.rel $0x88, $3  }
0x1: {  	(tag) =	ssettag $0x0;
	lr =	simm.s32 $0x1  }
0x2: {  	[smem:$0x3F9E] =	sst lr;
	_ =	strace $0xD0000000  }
0x3: {  	_ = 	snop  }
0x4: {  	_ = 	snop  }
0x5: {  	_ = 	snop  }
0x6: {  	_ = 	snop  }
0x7: {  	_ = 	snop  }
__scs_overlays_trampoline_lowered:
0x8: {  	[smem:$0x3FAD] =	sst s0  }
0x9: {  	[smem:$0x3FAE] =	sst s1  }
0xa: {  	[smem:$0x3FAF] =	sst s2  }
0xb: {  	[smem:$0x3FB0] =	sst s3  }
0xc: {  	[smem:$0x3FB1] =	sst s4  }
0xd: {  	[smem:$0x3FB2] =	sst s5  }
0xe: {  	[smem:$0x3FB3] =	sst s6  }
0xf: {  	[smem:$0x3FB4] =	sst s7  }
0x10: {  	[smem:$0x3FB5] =	sst s8  }
0x11: {  	[smem:$0x3FB6] =	sst s9;
	s0 =	simm.s32 @!p0 $0x0  }
0x12: {  	s1 =	sld [smem:$0x3F9C];
	s0 =	simm.s32 @p0 $0x1  }
0x13: {  	[smem:$0x3FB7] =	sst s0;
	s0 =	simm.s32 @!p1 $0x0  }
0x14: {  	s2 =	sld [smem:$0x3F9B];
	s0 =	simm.s32 @p1 $0x1  }
0x15: {  	[smem:$0x3FB8] =	sst s0;
	s0 =	simm.s32 @!p2 $0x0  }
0x16: {  	s3 =	sld [smem:$0x3FDB];
	s0 =	simm.s32 @p2 $0x1  }
0x17: {  	s4 =	simm.s32 $0x1BF5;
	[smem:$0x3FBA] =	sst s0  }
0x18: {  	s0 =	sld [smem:$0x3F9D];
	_ =	swait.ge [sflag:s4], $0x0  }
0x19: {  	s7 =	sld [smem:$0x3F9E]  }
0x1a: {  	s8 =	sadd.s32 $0xFFFFE003, lr  }
0x1b: {  	s9 =	sadd.s32 $0xFFFFFEF7, lr;
	s5 =	simm.s32 $0xFFFFFFFF;
	p2 =	slt.u32 s8, $0xFFFFF086  }
0x1c: {  	p1 =	slt.u32 s9, $0xF7A;
	s5 =	simm.s32 @!p2 $0x0  }
0x1d: {  	s5 =	simm.s32 @p1 $0x1;
	p0 =	seq.s32 s7, s2  }
0x1e: {  	s7 =	smul.u32 @!p0 $0xF7A, s2;
	p2 =	seq.s32 @!p0 s5, $0x0  }
0x1f: {  	s9 =	smul.u32 $0xF7A, s1;
	s8 =	simm.s32 @!p0 $0x1BF5;
	p2 =	por !p2, p0  }
0x20: {  	[sflag:s8] =	ssyncset.s32 @!p0 $0xFFFFF086;
	s6 =	sadd.s32 @!p0 s3, s7;
	s7 =	simm.s32 @!p0 $0x108  }
0x21: {  	s3 =	sadd.s32 s3, s9;
	s6 =	sadd.s32 @!p0 $0x88, s6;
	s7 =	simm.s32 @p2 $0x1082  }
0x22: {  	[simem:s7], [sflag:s8] =	dma.local @!p0 [hbm:s6], $0xF7A  }
0x23: {  	s9 =	sor.u32 $0xD0000000, s2;
	s6 =	simm.s32 $0x108;
	_ =	swait.ge @!p0 [sflag:s8], $0x0  }
0x24: {  	s3 =	sadd.s32 $0x88, s3;
	s6 =	simm.s32 @!p1 $0x1082;
	[sflag:s4] =	ssyncset.s32 $0xFFFFF086  }
0x25: {  	[simem:s6], [sflag:s4] =	dma.local [hbm:s3], $0xF7A  }
0x26: {  	[smem:$0x3F9E] =	sst s1;
	(tag) =	ssettag s2;
	_ =	strace s9  }
0x27: {  	s1 =	sld [smem:$0x3FAE]  }
0x28: {  	s2 =	sld [smem:$0x3FAF]  }
0x29: {  	s4 =	sld [smem:$0x3FB1]  }
0x2a: {  	p0 =	seq.s32 s5, $0x0;
	s5 =	sld [smem:$0x3FB2]  }
0x2b: {  	s6 =	sld [smem:$0x3FB3]  }
0x2c: {  	s7 =	sld [smem:$0x3FB4]  }
0x2d: {  	s3 =	simm.s32 $0x108;
	s8 =	sld [smem:$0x3FB5]  }
0x2e: {  	s3 =	simm.s32 @!p0 $0x1082;
	s9 =	sld [smem:$0x3FB6]  }
0x2f: {  	lr =	sadd.s32 s0, s3;
	s0 =	sld [smem:$0x3FAD]  }
0x30: {  	s3 =	sld [smem:$0x3FB0]  }
0x31: {  	[smem:$0x3FB9] =	sst s10  }
0x32: {  	s10 =	sld [smem:$0x3FB7];
	_ =	sdelay $0x3  }
0x33: {  	p0 =	seq.s32 s10, $0x1;
	s10 =	sld [smem:$0x3FB9];
	_ =	sdelay $0x3  }
0x34: {  	[smem:$0x3FB9] =	sst s10  }
0x35: {  	s10 =	sld [smem:$0x3FB8];
	_ =	sdelay $0x3  }
0x36: {  	p1 =	seq.s32 s10, $0x1;
	s10 =	sld [smem:$0x3FB9];
	_ =	sdelay $0x3  }
0x37: {  	[smem:$0x3FB9] =	sst s10  }
0x38: {  	s10 =	sld [smem:$0x3FBA]  }
0x39: {  	_ = 	snop;
	(pc) =	sbr.ind lr, $3  }
0x3a: {  	_ = 	snop  }
0x3b: {  	_ = 	snop  }
0x3c: {  	p2 =	seq.s32 s10, $0x1;
	s10 =	sld [smem:$0x3FB9]  }
0x3d: {  	_ =	shalt  }
0x3e: {  	_ =	shalt  }
0x3f: {  	_ =	shalt  }
0x40: {  	_ =	shalt  }
0x41: {  	_ =	shalt  }
0x42: {  	_ =	shalt  }
0x43: {  	_ =	shalt  }
0x44: {  	_ =	shalt  }
0x45: {  	_ =	shalt  }
0x46: {  	_ =	shalt  }
0x47: {  	_ =	shalt  }
0x48: {  	_ =	shalt  }
0x49: {  	_ =	shalt  }
0x4a: {  	_ =	shalt  }
0x4b: {  	_ =	shalt  }
0x4c: {  	_ =	shalt  }
0x4d: {  	_ =	shalt  }
0x4e: {  	_ =	shalt  }
0x4f: {  	_ =	shalt  }
0x50: {  	_ =	shalt  }
0x51: {  	_ =	shalt  }
0x52: {  	_ =	shalt  }
0x53: {  	_ =	shalt  }
0x54: {  	_ =	shalt  }
0x55: {  	_ =	shalt  }
0x56: {  	_ =	shalt  }
0x57: {  	_ =	shalt  }
0x58: {  	_ =	shalt  }
0x59: {  	_ =	shalt  }
0x5a: {  	_ =	shalt  }
0x5b: {  	_ =	shalt  }
0x5c: {  	_ =	shalt  }
0x5d: {  	_ =	shalt  }
0x5e: {  	_ =	shalt  }
0x5f: {  	_ =	shalt  }
0x60: {  	_ =	shalt  }
0x61: {  	_ =	shalt  }
0x62: {  	_ =	shalt  }
0x63: {  	_ =	shalt  }
0x64: {  	_ =	shalt  }
0x65: {  	_ =	shalt  }
0x66: {  	_ =	shalt  }
0x67: {  	_ =	shalt  }
0x68: {  	_ =	shalt  }
0x69: {  	_ =	shalt  }
0x6a: {  	_ =	shalt  }
0x6b: {  	_ =	shalt  }
0x6c: {  	_ =	shalt  }
0x6d: {  	_ =	shalt  }
0x6e: {  	_ =	shalt  }
0x6f: {  	_ =	shalt  }
0x70: {  	_ =	shalt  }
0x71: {  	_ =	shalt  }
0x72: {  	_ =	shalt  }
0x73: {  	_ =	shalt  }
0x74: {  	_ =	shalt  }
0x75: {  	_ =	shalt  }
0x76: {  	_ =	shalt  }
0x77: {  	_ =	shalt  }
0x78: {  	_ =	shalt  }
0x79: {  	_ =	shalt  }
0x7a: {  	_ =	shalt  }
0x7b: {  	_ =	shalt  }
0x7c: {  	_ =	shalt  }
0x7d: {  	_ =	shalt  }
0x7e: {  	_ =	shalt  }
0x7f: {  	_ =	shalt  }
0x80: {  	_ =	shalt  }
0x81: {  	_ =	shalt  }
0x82: {  	_ =	shalt  }
0x83: {  	_ =	shalt  }
0x84: {  	_ =	shalt  }
0x85: {  	_ =	shalt  }
0x86: {  	_ =	shalt  }
0x87: {  	_ =	shalt  }
.Lfunc_end0:
.L_simem_size_0:
called_computation_lowered:
.L_overlay_start_0:
0x88: {  	s2 =	sld [smem:$0x3FD9]  }
0x89: {  	s3 =	sld [smem:$0x3FFE];
	_ =	sdelay $0x1  }
0x8a: {  	s1 =	srdreg.scid  }
0x8b: {  	s0 =	sand.u32 $0x1, s1  }
0x8c: {  	s14 =	sshll.u32 s0, $0xA;
	s2 =	sadd.s32 s3, s2  }
0x8d: {  	s2 =	sadd.s32 s2, s14  }
0x8e: {  	[smem:$0x3FC5] =	sst s2  }
0x8f: {  	_ = 	snop  }
0x90: {  	s2 =	sld [smem:$0x3FD0];
	_ =	sdelay $0x2  }
0x91: {  	s4 =	simm.s32 $0xA;
	s5 =	simm.s32 $0x10;
	s15 =	sld [smem:$0x3FC8]  }
0x92: {  	[smem:s5], [sflag:s4] =	dma.local [hbm:s2], $0x1  }
0x93: {  	_ =	swait.eq [sflag:s4], $0x1  }
0x94: {  	[sflag:s4] =	ssyncset.done $0x0  }
0x95: {  	[sflag:s4] =	ssyncadd.s32 $0xFFFFFFFF  }
0x96: {  	s16 =	sld [smem:$0x11];
	(tm) =	ssettm $0x1  }
0x97: {  	s17 =	sld [smem:$0x3FFB];
	_ =	sdelay $0x3  }
0x98: {  	_ =	strace s17  }
0x99: {  	s4 =	sld [smem:$0x3FFC];
	_ =	sdelay $0x3  }
0x9a: {  	_ =	strace s4  }
0x9b: {  	s4 =	sld [smem:$0x3FFD];
	_ =	sdelay $0x3  }
0x9c: {  	_ =	strace s4  }
0x9d: {  	_ =	strace $0x8FFFFFFF  }
0x9e: {  	s18 =	sld [smem:$0x3FDB];
	_ =	sdelay $0x1  }
0x9f: {  	s19 =	simm.s32 $_scs_section_size  }
0xa0: {  	s6 =	simm.s32 $_size__tile_overlayer_lowered;
	s7 =	simm.s32 $_tile_overlayer_lowered  }
0xa1: {  	s22 =	simm.s32 $0x1BFF;
	s21 =	sshll.u32 s7, $0x1;
	s4 =	sadd.s32 s19, s18  }
0xa2: {  	s8 =	simm.s32 $0x0;
	s20 =	sshll.u32 s6, $0x1;
	s6 =	sadd.s32 s21, s4  }
0xa3: {  	[timem:s8], [sflag:s22] =	dma.local [hbm:s6], s20  }
0xa4: {  	_ =	swait.ge [sflag:s22], s20  }
0xa5: {  	s5 =	ssub.s32 $0x0, s20;
	[sflag:s22] =	ssyncset.done $0x0  }
0xa6: {  	[sflag:s22] =	ssyncadd.s32 s5;
	_ =	sdelay $0x1  }
0xa7: {  	s23 =	simm.s32 $0x1B8B  }
0xa8: {  	_ =	swait.ge [sflag:s23], $0x1  }
0xa9: {  	[sflag:s23] =	ssyncset.done $0x0  }
0xaa: {  	s25 =	simm.s32 $0x1B8E;
	s24 =	sld [smem:$0x3FFE];
	[sflag:s23] =	ssyncadd.s32 $0xFFFFFFFF  }
0xab: {  	s26 =	simm.s32 $execute0_lowered;
	[smem:$0x3FD2] =	sst s25  }
0xac: {  	s6 =	sshll.u32 s26, $0x1;
	_ =	strace $0x80000046;
	[dreg:$0x1] =	wrdreg $0xFFFFFFFF  }
0xad: {  	s28 =	simm.s32 $_size_execute0_lowered;
	s4 =	sadd.s32 s4, s6;
	[dreg:$0x0] =	wrdreg $0x0  }
0xae: {  	s6 =	sshll.u32 s28, $0x1;
	[dreg:$0x2] =	wrdreg s4  }
0xaf: {  	[dreg:$0x3] =	wrdreg s6  }
0xb0: {  	[dreg:$0x4] =	wrdreg $0xC0  }
0xb1: {  	_ =	task [dreg:s8], $0x5FFFF  }
0xb2: {  	[dreg:$0x1] =	wrdreg $0xFFFFFFFF  }
0xb3: {  	[dreg:$0x0] =	wrdreg $0x60  }
0xb4: {  	[dreg:$0x2] =	wrdreg s24  }
0xb5: {  	[dreg:$0x3] =	wrdreg s15  }
0xb6: {  	[dreg:$0x4] =	wrdreg s16  }
0xb7: {  	[dreg:$0x5] =	wrdreg $0x9  }
0xb8: {  	_ =	task.clear_ibuf [dreg:s8], $0x6FFFF;
	_ =	strace $0x90000046  }
0xb9: {  	s29 =	simm.s32 $0x9;
	_ =	strace $0x80000048  }
0xba: {  	_ =	swait.ge [sflag:s29], $0x1  }
0xbb: {  	[sflag:s29] =	ssyncadd.s32 $0xFFFFFFFF  }
0xbc: {  	_ =	strace $0x90000048  }
0xbd: {  	_ =	sfence  }
0xbe: {  	s30 =	sld [smem:$0x0];
	_ =	sdelay $0x2  }
0xbf: {  	s31 =	sshll.u32 s1, $0xD;
	s1 =	sshrl.u32 s1, $0x2  }
0xc0: {  	s3 =	sand.u32 $0x4000, s31;
	s1 =	sadd.s32 s1, s30  }
0xc1: {  	s0 =	sor.u32 s3, s0;
	s1 =	sshll.u32 s1, $0x11  }
0xc2: {  	s0 =	sor.u32 s1, s0  }
0xc3: {  	s0 =	sadd.s32 $0x8F2B, s0  }
0xc4: {  	[sflag:s0] =	ssyncadd.remote.s32 $0x1  }
0xc5: {  	_ =	sfence.sel $0xFFFF  }
0xc6: {  	[dreg:$0x0] =	wrdreg $0xFFFFFFFF;
	(pc) =	sbr.abs _section_cstart, $3  }
0xc7: {  	[dreg:$0x1] =	wrdreg $0xFFFFFFFF  }
0xc8: {  	_ =	task.clear_ibuf [dreg:s8], $0x2FFFF;
	_ =	strace $0x9FFFFFFF  }
0xc9: {  	(tm) =	ssettm $0x7FFFFFFF  }
tec
execute0_lowered:
.L_overlay_start_1:
0x0: {  	(tag) =	ssettag $0x1  }
0x1: {  	s0 =	rddreg [dreg:$0x0]  }
0x2: {  	s1 =	rddreg [dreg:$0x1]  }
0x3: {  	s4 =	rddreg [dreg:$0x2]  }
0x4: {  	s2 =	simm.s32 $0x0;
	s3 =	srdreg.scid;
	s9 =	stileid.u32  }
0x5: {  	s11 =	simm.s32 $0x800;
	s19 =	simm.s32 $0x4800;
	s28 =	simm.s32 $0x1  }
0x6: {  	s29 =	simm.s32 $0x8800;
	s10 =	simm.s32 $0xC800;
	s12 =	simm.s32 $0xD000  }
0x7: {  	s13 =	simm.s32 $0xD800;
	s14 =	simm.s32 $0xE000;
	s15 =	simm.s32 $0xE800  }
0x8: {  	s16 =	simm.s32 $0xF000;
	s17 =	simm.s32 $0xF800;
	s18 =	simm.s32 $0x10000  }
0x9: {  	s20 =	simm.s32 $0x3;
	s21 =	simm.s32 $0x4;
	s22 =	simm.s32 $0x5  }
0xa: {  	s23 =	simm.s32 $0x6;
	[smem:$0x7FF] =	sst s2;
	s5 =	sand.u32 $0x1, s3  }
0xb: {  	s3 =	sadd.s32 $0x800, s0;
	s7 =	sshll.u32 s9, $0x1;
	s24 =	sshll.u32 s9, $0x9  }
0xc: {  	s9 =	simm.s32 $0xB800;
	_ =	strace $0x80000047;
	s6 =	ssub.s32 $0x2, s5  }
0xd: {  	s5 =	sor.u32 s5, s7;
	s25 =	sand.u32 $0x1800, s24;
	s8 =	sshrl.u32 s6, $0x1  }
0xe: {  	s26 =	sshll.u32 s5, $0x4;
	s1 =	sadd.s32 s1, s25;
	s30 =	sshll.u32 s5, $0x11  }
.Ltmp0:
0xf: {  	s5 =	sadd.s32 $0x900, s0;
	s0 =	simm.s32 $0xA000;
	(pc) =	sbr.rel .LBB2_1-.Ltmp0, $4  }
0x10: {  	s8 =	ssub.s32 s6, s8;
	s7 =	sand.u32 $0x70, s26;
	s6 =	sadd.s32 s4, s30  }
0x11: {  	v2 =	vlaneseq.u32;
	s4 =	simm.s32 $0xC000;
	s26 =	simm.s32 $0x0;
	s1 =	sadd.s32 s7, s1  }
0x12: {  	vm0 =	vmmov $0xffff;
	v1 =	vshrl.u32 v2, $0x3;
	s31 =	smax.u32 s8, $0x1;
	s8 =	simm.s32 $0xB000;
	[dreg:$0x4] =	wrdreg s1  }
0x13: {  	v0 =	vand.u32 $0x7, v2;
	v2 =	vor.u32 $0x8, v2;
	v1 =	vmul.u32 $0x8, v1;
	s7 =	simm.s32 $0x2;
	[dreg:$0x5] =	wrdreg s31;
	s1 =	simm.s32 $0xA800  }
.LBB2_4:
0x14: {  	_ =	swait.ge [sflag:s21], $0x4000  }
0x15: {  	[sflag:s21] =	ssyncset.done $0x0  }
0x16: {  	s24 =	sadd.s32 $0x1F800, s6;
	[sflag:s21] =	ssyncadd.s32 $0xFFFFC000  }
0x17: {  	[hbm4b:s24+s2] =	stream.linear.scatter [tilespmem:s10], [sflag:$0x8], $0x4000, $0x38;
	[tilespmem:$0x10800] =	vst v63  }
0x18: {  	_ =	swait.ge [sflag:s22], $0x4000  }
0x19: {  	[sflag:s22] =	ssyncset.done $0x0  }
0x1a: {  	[sflag:s22] =	ssyncadd.s32 $0xFFFFC000  }
0x1b: {  	_ =	swait.ge [sflag:s23], $0x4000  }
0x1c: {  	[sflag:s23] =	ssyncset.done $0x0  }
0x1d: {  	s30 =	simm.s32 $0x7;
	[sflag:s23] =	ssyncadd.s32 $0xFFFFC000  }
0x1e: {  	_ =	swait.ge [sflag:s30], $0x4000  }
0x1f: {  	[sflag:s30] =	ssyncset.done $0x0  }
0x20: {  	s25 =	simm.s32 $0x8;
	[sflag:s30] =	ssyncadd.s32 $0xFFFFC000  }
0x21: {  	_ =	swait.ge [sflag:s25], $0x4000  }
0x22: {  	s26 =	rddreg [dreg:$0x6]  }
0x23: {  	s31 =	rddreg [dreg:$0x5];
	s26 =	sadd.s32 $0x1, s26  }
0x24: {  	p0 =	sne.s32 s26, s31  }
.Ltmp1:
0x25: {  	_ = 	snop;
	(pc) =	sbr.rel @!p0 .LBB2_5-.Ltmp1, $3  }
0x26: {  	_ =	sdelay $0x1  }
0x27: {  	[sflag:s25] =	ssyncset.done $0x0  }
0x28: {  	[sflag:s25] =	ssyncadd.s32 $0xFFFFC000  }
.LBB2_1:
0x29: {  	[dreg:$0x6] =	wrdreg s26  }
0x2a: {  	s24 =	rddreg [dreg:$0x4]  }
0x2b: {  	s25 =	simm.s32 $0x80;
	s31 =	simm.s32 $0x400;
	s26 =	simm.s32 $0x9  }
0x2c: {  	[tilespmem:s2], [sflag:$0x9] =	stream.strided.gather [hbm4b:s24+s25], $0x800, s31, s25, $0x38;
	[tilespmem:$0x10800] =	vst v63  }
0x2d: {  	_ =	swait.ge [sflag:s26], $0x800  }
0x2e: {  	[sflag:s26] =	ssyncset.done $0x0  }
0x2f: {  	[sflag:s26] =	ssyncadd.s32 $0xFFFFF800  }
0x30: {  	v3 =	vld [tilespmem:$0x0];
	_ =	sdelay $0x4  }
0x31: {  	v4 =	vshll.u32 v3, $0x2  }
0x32: {  	v5 =	vand.u32 $0x7, v3;
	v4 =	vand.u32 $0x1FE0, v4  }
0x33: {  	v4 =	vor.u32 v5, v4  }
0x34: {  	v57 =	vld [tilespmem:$0x10];
	v6 =	vperm.xlane v4, v0;
	_ =	sdelay $0x1  }
0x35: {  	v6 =	vadd.s32 v1, v6;
	_ =	sdelay $0x1  }
0x36: {  	v3 =	vand.u32 $0x7FF, v3;
	v4 =	vperm.xlane v4, v2  }
0x37: {  	[tilespmem:$0x0] =	vst v3;
	v3 =	vand.u32 $0x7FF, v57  }
0x38: {  	[tilespmem:$0x10] =	vst v3;
	v3 =	vadd.s32 v1, v4  }
0x39: {  	[tilespmem:s11], [sflag:$0x1] =	stream.indirect_vreg.gather [hbm4b:s3+s2], $0x80, v6, vm0, $0xb8;
	[tilespmem:$0x10800] =	vst v63  }
0x3a: {  	s30 =	simm.s32 $0x1000  }
0x3b: {  	[tilespmem:s30], [sflag:$0x1] =	stream.indirect_vreg.gather [hbm4b:s5+s2], $0x80, v6, vm0, $0xb8;
	[tilespmem:$0x10800] =	vst v63  }
0x3c: {  	s31 =	simm.s32 $0x1800  }
0x3d: {  	[tilespmem:s31], [sflag:$0x1] =	stream.indirect_vreg.gather [hbm4b:s3+s2], $0x80, v3, vm0, $0xb8;
	[tilespmem:$0x10800] =	vst v63  }
0x3e: {  	s25 =	simm.s32 $0x2000  }
0x3f: {  	[tilespmem:s25], [sflag:$0x1] =	stream.indirect_vreg.gather [hbm4b:s5+s2], $0x80, v3, vm0, $0xb8;
	[tilespmem:$0x10800] =	vst v63  }
0x40: {  	v3 =	vld [tilespmem:$0x10];
	_ =	sdelay $0x4  }
0x41: {  	v58 =	vshll.u32 v3, $0x2  }
0x42: {  	v3 =	vand.u32 $0x7, v3;
	v4 =	vand.u32 $0xFFFFFFE0, v58  }
0x43: {  	v3 =	vor.u32 v3, v4  }
0x44: {  	v4 =	vperm.xlane v3, v0;
	_ =	sdelay $0x1  }
0x45: {  	v4 =	vadd.s32 v1, v4;
	_ =	sdelay $0x1  }
0x46: {  	v3 =	vperm.xlane v3, v2;
	_ =	sdelay $0x1  }
0x47: {  	s26 =	simm.s32 $0x2800;
	v3 =	vadd.s32 v1, v3  }
0x48: {  	[tilespmem:s26], [sflag:$0x1] =	stream.indirect_vreg.gather [hbm4b:s3+s2], $0x80, v4, vm0, $0xb8;
	[tilespmem:$0x10800] =	vst v63  }
0x49: {  	s30 =	simm.s32 $0x3000  }
0x4a: {  	[tilespmem:s30], [sflag:$0x1] =	stream.indirect_vreg.gather [hbm4b:s5+s2], $0x80, v4, vm0, $0xb8;
	[tilespmem:$0x10800] =	vst v63  }
0x4b: {  	s31 =	simm.s32 $0x3800  }
0x4c: {  	[tilespmem:s31], [sflag:$0x1] =	stream.indirect_vreg.gather [hbm4b:s3+s2], $0x80, v3, vm0, $0xb8;
	[tilespmem:$0x10800] =	vst v63  }
0x4d: {  	s25 =	simm.s32 $0x4000  }
0x4e: {  	[tilespmem:s25], [sflag:$0x1] =	stream.indirect_vreg.gather [hbm4b:s5+s2], $0x80, v3, vm0, $0xb8;
	[tilespmem:$0x10800] =	vst v63  }
0x4f: {  	v3 =	vld [tilespmem:$0x20];
	_ =	sdelay $0x4  }
0x50: {  	v59 =	vshll.u32 v3, $0x2  }
0x51: {  	v60 =	vand.u32 $0x7, v3;
	v4 =	vand.u32 $0x1FE0, v59  }
0x52: {  	v4 =	vor.u32 v60, v4  }
0x53: {  	v61 =	vld [tilespmem:$0x30];
	v62 =	vperm.xlane v4, v0;
	_ =	sdelay $0x1  }
0x54: {  	v6 =	vadd.s32 v1, v62;
	_ =	sdelay $0x1  }
0x55: {  	v3 =	vand.u32 $0x7FF, v3;
	v4 =	vperm.xlane v4, v2  }
0x56: {  	[tilespmem:$0x20] =	vst v3;
	v3 =	vand.u32 $0x7FF, v61  }
0x57: {  	[tilespmem:$0x30] =	vst v3;
	v3 =	vadd.s32 v1, v4  }
0x58: {  	[tilespmem:s19], [sflag:$0x2] =	stream.indirect_vreg.gather [hbm4b:s3+s2], $0x80, v6, vm0, $0xb8;
	[tilespmem:$0x10800] =	vst v63  }
0x59: {  	s26 =	simm.s32 $0x5000  }
0x5a: {  	[tilespmem:s26], [sflag:$0x2] =	stream.indirect_vreg.gather [hbm4b:s5+s2], $0x80, v6, vm0, $0xb8;
	[tilespmem:$0x10800] =	vst v63  }
0x5b: {  	s30 =	simm.s32 $0x5800  }
0x5c: {  	[tilespmem:s30], [sflag:$0x2] =	stream.indirect_vreg.gather [hbm4b:s3+s2], $0x80, v3, vm0, $0xb8;
	[tilespmem:$0x10800] =	vst v63  }
0x5d: {  	s31 =	simm.s32 $0x6000  }
0x5e: {  	[tilespmem:s31], [sflag:$0x2] =	stream.indirect_vreg.gather [hbm4b:s5+s2], $0x80, v3, vm0, $0xb8;
	[tilespmem:$0x10800] =	vst v63  }
0x5f: {  	v3 =	vld [tilespmem:$0x30];
	_ =	sdelay $0x4  }
0x60: {  	v63 =	vshll.u32 v3, $0x2  }
0x61: {  	v3 =	vand.u32 $0x7, v3;
	v4 =	vand.u32 $0xFFFFFFE0, v63  }
0x62: {  	v3 =	vor.u32 v3, v4  }
0x63: {  	v4 =	vperm.xlane v3, v0;
	_ =	sdelay $0x1  }
0x64: {  	v4 =	vadd.s32 v1, v4;
	_ =	sdelay $0x1  }
0x65: {  	v3 =	vperm.xlane v3, v2;
	_ =	sdelay $0x1  }
0x66: {  	s25 =	simm.s32 $0x6800;
	v3 =	vadd.s32 v1, v3  }
0x67: {  	[tilespmem:s25], [sflag:$0x2] =	stream.indirect_vreg.gather [hbm4b:s3+s2], $0x80, v4, vm0, $0xb8;
	[tilespmem:$0x10800] =	vst v63  }
0x68: {  	s26 =	simm.s32 $0x7000  }
0x69: {  	[tilespmem:s26], [sflag:$0x2] =	stream.indirect_vreg.gather [hbm4b:s5+s2], $0x80, v4, vm0, $0xb8;
	[tilespmem:$0x10800] =	vst v63  }
0x6a: {  	s24 =	simm.s32 $0xA0;
	s30 =	simm.s32 $0x7800  }
0x6b: {  	[tilespmem:s30], [sflag:$0x2] =	stream.indirect_vreg.gather [hbm4b:s3+s2], $0x80, v3, vm0, $0xb8;
	[tilespmem:$0x10800] =	vst v63  }
0x6c: {  	s31 =	simm.s32 $0x8000;
	s25 =	simm.s32 $0x60;
	s26 =	simm.s32 $0x0  }
0x6d: {  	[tilespmem:s31], [sflag:$0x2] =	stream.indirect_vreg.gather [hbm4b:s5+s2], $0x80, v3, vm0, $0xb8;
	[tilespmem:$0x10800] =	vst v63  }
.LBB2_2:
0x6e: {  	_ =	swait.ge [sflag:s28], $0x4000  }
0x6f: {  	p0 =	seq.s32 s26, $0x0;
	[sflag:s28] =	ssyncset.done $0x0  }
0x70: {  	s30 =	sadd.s32 s26, s6;
	s31 =	simm.s32 @!p0 $0x7;
	[sflag:s28] =	ssyncadd.s32 $0xFFFFC000  }
0x71: {  	[hbm4b:s30+s2] =	stream.linear.scatter [tilespmem:s11], [sflag:$0x5], $0x4000, $0x38;
	[tilespmem:$0x10800] =	vst v63  }
0x72: {  	_ =	swait.ge @!p0 [sflag:s31], $0x4000  }
0x73: {  	[sflag:s31] =	ssyncset.done @!p0 $0x0  }
0x74: {  	[sflag:s31] =	ssyncadd.s32 @!p0 $0xFFFFC000  }
0x75: {  	v3 =	vld [tilespmem:s25+$0xFFFFFFE0];
	_ =	sdelay $0x4  }
0x76: {  	s31 =	sadd.s32 $0xFFFFFFA0, s24;
	v3 =	vand.u32 $0x7FF, v3  }
0x77: {  	s31 =	sor.u32 $0x50, s31;
	[tilespmem:s25+$0xFFFFFFE0] =	vst v3  }
0x78: {  	v3 =	vld [tilespmem:s31+$0x0];
	_ =	sdelay $0x4  }
0x79: {  	v3 =	vand.u32 $0x7FF, v3  }
0x7a: {  	[tilespmem:s31+$0x0] =	vst v3  }
0x7b: {  	v3 =	vld [tilespmem:s25+$0xFFFFFFE0];
	_ =	sdelay $0x4  }
0x7c: {  	v4 =	vshll.u32 v3, $0x2  }
0x7d: {  	v3 =	vand.u32 $0x7, v3;
	v4 =	vand.u32 $0xFFFFFFE0, v4  }
0x7e: {  	v3 =	vor.u32 v3, v4  }
0x7f: {  	v4 =	vperm.xlane v3, v0;
	_ =	sdelay $0x1  }
0x80: {  	v4 =	vadd.s32 v1, v4;
	_ =	sdelay $0x1  }
0x81: {  	v3 =	vperm.xlane v3, v2;
	_ =	sdelay $0x1  }
0x82: {  	v3 =	vadd.s32 v1, v3  }
0x83: {  	[tilespmem:s29], [sflag:$0x3] =	stream.indirect_vreg.gather [hbm4b:s3+s2], $0x80, v4, vm0, $0xb8;
	[tilespmem:$0x10800] =	vst v63  }
0x84: {  	s31 =	simm.s32 $0x9000  }
0x85: {  	[tilespmem:s31], [sflag:$0x3] =	stream.indirect_vreg.gather [hbm4b:s5+s2], $0x80, v4, vm0, $0xb8;
	[tilespmem:$0x10800] =	vst v63  }
0x86: {  	s31 =	simm.s32 $0x9800  }
0x87: {  	[tilespmem:s31], [sflag:$0x3] =	stream.indirect_vreg.gather [hbm4b:s3+s2], $0x80, v3, vm0, $0xb8;
	[tilespmem:$0x10800] =	vst v63  }
0x88: {  	_ = 	snop  }
0x89: {  	[tilespmem:s0], [sflag:$0x3] =	stream.indirect_vreg.gather [hbm4b:s5+s2], $0x80, v3, vm0, $0xb8;
	[tilespmem:$0x10800] =	vst v63  }
0x8a: {  	v3 =	vld [tilespmem:s25+$0xFFFFFFF0];
	_ =	sdelay $0x4  }
0x8b: {  	v61 =	vshll.u32 v3, $0x2  }
0x8c: {  	v3 =	vand.u32 $0x7, v3;
	v4 =	vand.u32 $0xFFFFFFE0, v61  }
0x8d: {  	v3 =	vor.u32 v3, v4  }
0x8e: {  	v4 =	vperm.xlane v3, v0;
	_ =	sdelay $0x1  }
0x8f: {  	v4 =	vadd.s32 v1, v4;
	_ =	sdelay $0x1  }
0x90: {  	v3 =	vperm.xlane v3, v2;
	_ =	sdelay $0x1  }
0x91: {  	v3 =	vadd.s32 v1, v3  }
0x92: {  	[tilespmem:s1], [sflag:$0x3] =	stream.indirect_vreg.gather [hbm4b:s3+s2], $0x80, v4, vm0, $0xb8;
	[tilespmem:$0x10800] =	vst v63  }
0x93: {  	_ = 	snop  }
0x94: {  	[tilespmem:s8], [sflag:$0x3] =	stream.indirect_vreg.gather [hbm4b:s5+s2], $0x80, v4, vm0, $0xb8;
	[tilespmem:$0x10800] =	vst v63  }
0x95: {  	_ = 	snop  }
0x96: {  	[tilespmem:s9], [sflag:$0x3] =	stream.indirect_vreg.gather [hbm4b:s3+s2], $0x80, v3, vm0, $0xb8;
	[tilespmem:$0x10800] =	vst v63  }
0x97: {  	_ = 	snop  }
0x98: {  	[tilespmem:s4], [sflag:$0x3] =	stream.indirect_vreg.gather [hbm4b:s5+s2], $0x80, v3, vm0, $0xb8;
	[tilespmem:$0x10800] =	vst v63  }
0x99: {  	_ =	swait.ge [sflag:s7], $0x4000  }
0x9a: {  	[sflag:s7] =	ssyncset.done $0x0  }
0x9b: {  	s31 =	sadd.s32 $0x800, s30;
	[sflag:s7] =	ssyncadd.s32 $0xFFFFC000  }
0x9c: {  	[hbm4b:s31+s2] =	stream.linear.scatter [tilespmem:s19], [sflag:$0x6], $0x4000, $0x38;
	[tilespmem:$0x10800] =	vst v63  }
0x9d: {  	s31 =	simm.s32 @!p0 $0x8  }
0x9e: {  	_ =	swait.ge @!p0 [sflag:s31], $0x4000  }
0x9f: {  	[sflag:s31] =	ssyncset.done @!p0 $0x0  }
0xa0: {  	[sflag:s31] =	ssyncadd.s32 @!p0 $0xFFFFC000  }
0xa1: {  	v3 =	vld [tilespmem:s25+$0x0];
	_ =	sdelay $0x4  }
0xa2: {  	s31 =	sadd.s32 $0xFFFFFFC0, s24;
	v3 =	vand.u32 $0x7FF, v3  }
0xa3: {  	s31 =	sor.u32 $0x70, s31;
	[tilespmem:s25+$0x0] =	vst v3  }
0xa4: {  	v3 =	vld [tilespmem:s31+$0x0];
	_ =	sdelay $0x4  }
0xa5: {  	v3 =	vand.u32 $0x7FF, v3  }
0xa6: {  	[tilespmem:s31+$0x0] =	vst v3  }
0xa7: {  	v3 =	vld [tilespmem:s25+$0x0];
	_ =	sdelay $0x4  }
0xa8: {  	v62 =	vshll.u32 v3, $0x2  }
0xa9: {  	v3 =	vand.u32 $0x7, v3;
	v4 =	vand.u32 $0xFFFFFFE0, v62  }
0xaa: {  	v3 =	vor.u32 v3, v4  }
0xab: {  	v4 =	vperm.xlane v3, v0;
	_ =	sdelay $0x1  }
0xac: {  	v4 =	vadd.s32 v1, v4;
	_ =	sdelay $0x1  }
0xad: {  	v3 =	vperm.xlane v3, v2;
	_ =	sdelay $0x1  }
0xae: {  	v3 =	vadd.s32 v1, v3  }
0xaf: {  	[tilespmem:s10], [sflag:$0x4] =	stream.indirect_vreg.gather [hbm4b:s3+s2], $0x80, v4, vm0, $0xb8;
	[tilespmem:$0x10800] =	vst v63  }
0xb0: {  	_ = 	snop  }
0xb1: {  	[tilespmem:s12], [sflag:$0x4] =	stream.indirect_vreg.gather [hbm4b:s5+s2], $0x80, v4, vm0, $0xb8;
	[tilespmem:$0x10800] =	vst v63  }
0xb2: {  	_ = 	snop  }
0xb3: {  	[tilespmem:s13], [sflag:$0x4] =	stream.indirect_vreg.gather [hbm4b:s3+s2], $0x80, v3, vm0, $0xb8;
	[tilespmem:$0x10800] =	vst v63  }
0xb4: {  	_ = 	snop  }
0xb5: {  	[tilespmem:s14], [sflag:$0x4] =	stream.indirect_vreg.gather [hbm4b:s5+s2], $0x80, v3, vm0, $0xb8;
	[tilespmem:$0x10800] =	vst v63  }
0xb6: {  	v3 =	vld [tilespmem:s25+$0x10];
	_ =	sdelay $0x4  }
0xb7: {  	v63 =	vshll.u32 v3, $0x2  }
0xb8: {  	v3 =	vand.u32 $0x7, v3;
	v4 =	vand.u32 $0xFFFFFFE0, v63  }
0xb9: {  	v3 =	vor.u32 v3, v4  }
0xba: {  	v4 =	vperm.xlane v3, v0;
	_ =	sdelay $0x1  }
0xbb: {  	v4 =	vadd.s32 v1, v4;
	_ =	sdelay $0x1  }
0xbc: {  	v3 =	vperm.xlane v3, v2;
	_ =	sdelay $0x1  }
0xbd: {  	v3 =	vadd.s32 v1, v3  }
0xbe: {  	[tilespmem:s15], [sflag:$0x4] =	stream.indirect_vreg.gather [hbm4b:s3+s2], $0x80, v4, vm0, $0xb8;
	[tilespmem:$0x10800] =	vst v63  }
0xbf: {  	_ = 	snop  }
0xc0: {  	[tilespmem:s16], [sflag:$0x4] =	stream.indirect_vreg.gather [hbm4b:s5+s2], $0x80, v4, vm0, $0xb8;
	[tilespmem:$0x10800] =	vst v63  }
0xc1: {  	_ = 	snop  }
0xc2: {  	[tilespmem:s17], [sflag:$0x4] =	stream.indirect_vreg.gather [hbm4b:s3+s2], $0x80, v3, vm0, $0xb8;
	[tilespmem:$0x10800] =	vst v63  }
0xc3: {  	p0 =	seq.s32 s26, $0x1E000  }
0xc4: {  	[tilespmem:s18], [sflag:$0x4] =	stream.indirect_vreg.gather [hbm4b:s5+s2], $0x80, v3, vm0, $0xb8;
	[tilespmem:$0x10800] =	vst v63  }
.Ltmp2:
0xc5: {  	_ = 	snop;
	(pc) =	sbr.rel @p0 .LBB2_4-.Ltmp2, $4  }
0xc6: {  	_ =	swait.ge [sflag:s20], $0x4000  }
0xc7: {  	[sflag:s20] =	ssyncset.done $0x0  }
0xc8: {  	s31 =	sadd.s32 $0x1000, s30;
	[sflag:s20] =	ssyncadd.s32 $0xFFFFC000  }
0xc9: {  	[hbm4b:s31+s2] =	stream.linear.scatter [tilespmem:s29], [sflag:$0x7], $0x4000, $0x38;
	[tilespmem:$0x10800] =	vst v63  }
0xca: {  	_ =	swait.ge [sflag:s22], $0x4000  }
0xcb: {  	[sflag:s22] =	ssyncset.done $0x0  }
0xcc: {  	[sflag:s22] =	ssyncadd.s32 $0xFFFFC000  }
0xcd: {  	v3 =	vld [tilespmem:s25+$0x20];
	_ =	sdelay $0x4  }
0xce: {  	v4 =	vshll.u32 v3, $0x2  }
0xcf: {  	v5 =	vand.u32 $0x7FF, v3;
	v3 =	vand.u32 $0x7, v3;
	v4 =	vand.u32 $0x1FE0, v4  }
0xd0: {  	v3 =	vor.u32 v3, v4  }
0xd1: {  	v59 =	vld [tilespmem:s25+$0x30];
	v60 =	vperm.xlane v3, v0;
	_ =	sdelay $0x1  }
0xd2: {  	[tilespmem:s25+$0x20] =	vst v5;
	v5 =	vadd.s32 v1, v60;
	_ =	sdelay $0x1  }
0xd3: {  	v3 =	vperm.xlane v3, v2  }
0xd4: {  	v4 =	vand.u32 $0x7FF, v59  }
0xd5: {  	[tilespmem:s25+$0x30] =	vst v4;
	v3 =	vadd.s32 v1, v3  }
0xd6: {  	[tilespmem:s11], [sflag:$0x1] =	stream.indirect_vreg.gather [hbm4b:s3+s2], $0x80, v5, vm0, $0xb8;
	[tilespmem:$0x10800] =	vst v63  }
0xd7: {  	s31 =	simm.s32 $0x1000  }
0xd8: {  	[tilespmem:s31], [sflag:$0x1] =	stream.indirect_vreg.gather [hbm4b:s5+s2], $0x80, v5, vm0, $0xb8;
	[tilespmem:$0x10800] =	vst v63  }
0xd9: {  	s31 =	simm.s32 $0x1800  }
0xda: {  	[tilespmem:s31], [sflag:$0x1] =	stream.indirect_vreg.gather [hbm4b:s3+s2], $0x80, v3, vm0, $0xb8;
	[tilespmem:$0x10800] =	vst v63  }
0xdb: {  	s31 =	simm.s32 $0x2000  }
0xdc: {  	[tilespmem:s31], [sflag:$0x1] =	stream.indirect_vreg.gather [hbm4b:s5+s2], $0x80, v3, vm0, $0xb8;
	[tilespmem:$0x10800] =	vst v63  }
0xdd: {  	v3 =	vld [tilespmem:s25+$0x30];
	_ =	sdelay $0x4  }
0xde: {  	v61 =	vshll.u32 v3, $0x2  }
0xdf: {  	v3 =	vand.u32 $0x7, v3;
	v4 =	vand.u32 $0xFFFFFFE0, v61  }
0xe0: {  	v3 =	vor.u32 v3, v4  }
0xe1: {  	v4 =	vperm.xlane v3, v0;
	_ =	sdelay $0x1  }
0xe2: {  	v4 =	vadd.s32 v1, v4;
	_ =	sdelay $0x1  }
0xe3: {  	v3 =	vperm.xlane v3, v2;
	_ =	sdelay $0x1  }
0xe4: {  	s31 =	simm.s32 $0x2800;
	v3 =	vadd.s32 v1, v3  }
0xe5: {  	[tilespmem:s31], [sflag:$0x1] =	stream.indirect_vreg.gather [hbm4b:s3+s2], $0x80, v4, vm0, $0xb8;
	[tilespmem:$0x10800] =	vst v63  }
0xe6: {  	s31 =	simm.s32 $0x3000  }
0xe7: {  	[tilespmem:s31], [sflag:$0x1] =	stream.indirect_vreg.gather [hbm4b:s5+s2], $0x80, v4, vm0, $0xb8;
	[tilespmem:$0x10800] =	vst v63  }
0xe8: {  	s31 =	simm.s32 $0x3800  }
0xe9: {  	[tilespmem:s31], [sflag:$0x1] =	stream.indirect_vreg.gather [hbm4b:s3+s2], $0x80, v3, vm0, $0xb8;
	[tilespmem:$0x10800] =	vst v63  }
0xea: {  	s31 =	simm.s32 $0x4000  }
0xeb: {  	[tilespmem:s31], [sflag:$0x1] =	stream.indirect_vreg.gather [hbm4b:s5+s2], $0x80, v3, vm0, $0xb8;
	[tilespmem:$0x10800] =	vst v63  }
0xec: {  	_ =	swait.ge [sflag:s21], $0x4000  }
0xed: {  	[sflag:s21] =	ssyncset.done $0x0  }
0xee: {  	s30 =	sadd.s32 $0x1800, s30;
	[sflag:s21] =	ssyncadd.s32 $0xFFFFC000  }
0xef: {  	[hbm4b:s30+s2] =	stream.linear.scatter [tilespmem:s10], [sflag:$0x8], $0x4000, $0x38;
	[tilespmem:$0x10800] =	vst v63  }
0xf0: {  	_ =	swait.ge [sflag:s23], $0x4000  }
0xf1: {  	[sflag:s23] =	ssyncset.done $0x0  }
0xf2: {  	[sflag:s23] =	ssyncadd.s32 $0xFFFFC000  }
0xf3: {  	v3 =	vld [tilespmem:s25+$0x40];
	_ =	sdelay $0x4  }
0xf4: {  	v3 =	vand.u32 $0x7FF, v3  }
0xf5: {  	s31 =	sor.u32 $0x30, s24;
	[tilespmem:s25+$0x40] =	vst v3  }
0xf6: {  	v3 =	vld [tilespmem:s31+$0x0];
	_ =	sdelay $0x4  }
0xf7: {  	v3 =	vand.u32 $0x7FF, v3  }
0xf8: {  	[tilespmem:s31+$0x0] =	vst v3  }
0xf9: {  	v3 =	vld [tilespmem:s25+$0x40];
	_ =	sdelay $0x4  }
0xfa: {  	v62 =	vshll.u32 v3, $0x2  }
0xfb: {  	v3 =	vand.u32 $0x7, v3;
	v4 =	vand.u32 $0xFFFFFFE0, v62  }
0xfc: {  	v3 =	vor.u32 v3, v4  }
0xfd: {  	v4 =	vperm.xlane v3, v0;
	_ =	sdelay $0x1  }
0xfe: {  	v4 =	vadd.s32 v1, v4;
	_ =	sdelay $0x1  }
0xff: {  	v3 =	vperm.xlane v3, v2;
	_ =	sdelay $0x1  }
0x100: {  	v3 =	vadd.s32 v1, v3  }
0x101: {  	[tilespmem:s19], [sflag:$0x2] =	stream.indirect_vreg.gather [hbm4b:s3+s2], $0x80, v4, vm0, $0xb8;
	[tilespmem:$0x10800] =	vst v63  }
0x102: {  	s31 =	simm.s32 $0x5000  }
0x103: {  	[tilespmem:s31], [sflag:$0x2] =	stream.indirect_vreg.gather [hbm4b:s5+s2], $0x80, v4, vm0, $0xb8;
	[tilespmem:$0x10800] =	vst v63  }
0x104: {  	s31 =	simm.s32 $0x5800  }
0x105: {  	[tilespmem:s31], [sflag:$0x2] =	stream.indirect_vreg.gather [hbm4b:s3+s2], $0x80, v3, vm0, $0xb8;
	[tilespmem:$0x10800] =	vst v63  }
0x106: {  	s31 =	simm.s32 $0x6000  }
0x107: {  	[tilespmem:s31], [sflag:$0x2] =	stream.indirect_vreg.gather [hbm4b:s5+s2], $0x80, v3, vm0, $0xb8;
	[tilespmem:$0x10800] =	vst v63  }
0x108: {  	v3 =	vld [tilespmem:s25+$0x50];
	_ =	sdelay $0x4  }
0x109: {  	v63 =	vshll.u32 v3, $0x2  }
0x10a: {  	v3 =	vand.u32 $0x7, v3;
	v4 =	vand.u32 $0xFFFFFFE0, v63  }
0x10b: {  	v3 =	vor.u32 v3, v4  }
0x10c: {  	v4 =	vperm.xlane v3, v0;
	_ =	sdelay $0x1  }
0x10d: {  	v4 =	vadd.s32 v1, v4;
	_ =	sdelay $0x2  }
0x10e: {  	v3 =	vperm.xlane v3, v2  }
0x10f: {  	s31 =	simm.s32 $0x6800  }
0x110: {  	v3 =	vadd.s32 v1, v3;
	[tilespmem:s31], [sflag:$0x2] =	stream.indirect_vreg.gather [hbm4b:s3+s2], $0x80, v4, vm0, $0xb8;
	[tilespmem:$0x10800] =	vst v63  }
0x111: {  	s31 =	simm.s32 $0x7000  }
0x112: {  	[tilespmem:s31], [sflag:$0x2] =	stream.indirect_vreg.gather [hbm4b:s5+s2], $0x80, v4, vm0, $0xb8;
	[tilespmem:$0x10800] =	vst v63  }
.Ltmp3:
0x113: {  	_ = 	snop;
	(pc) =	sbr.rel .LBB2_2-.Ltmp3, $4  }
0x114: {  	s26 =	sadd.s32 $0x2000, s26;
	s31 =	simm.s32 $0x7800  }
0x115: {  	[tilespmem:s31], [sflag:$0x2] =	stream.indirect_vreg.gather [hbm4b:s3+s2], $0x80, v3, vm0, $0xb8;
	[tilespmem:$0x10800] =	vst v63  }
0x116: {  	s24 =	sadd.s32 $0x80, s24;
	s25 =	sadd.s32 $0x80, s25;
	s31 =	simm.s32 $0x8000  }
0x117: {  	[tilespmem:s31], [sflag:$0x2] =	stream.indirect_vreg.gather [hbm4b:s5+s2], $0x80, v3, vm0, $0xb8;
	[tilespmem:$0x10800] =	vst v63  }
.LBB2_5:
0x118: {  	_ =	sfence.sel $0x180000  }
0x119: {  	[bflag:$0x0] =	sbarrier.arrive $0xFFFF  }
0x11a: {  	_ =	strace $0x90000047  }
0x11b: {  	s0 =	stileid.u32;
	[bflag:$0x2] =	sbarrier.arrive $0xFFFF  }
0x11c: {  	p0 =	sne.s32 s0, $0x0;
	s0 =	rddreg [dreg:$0x3]  }
0x11d: {  	s0 =	sadd.s32 @!p0 $0x100000, s0  }
0x11e: {  	[sflag:s0] =	ssyncadd.tile.s32 @!p0 $0x1;
	_ =	shalt  }
.Lfunc_end2:
_tile_overlayer_lowered:
.L_overlay_start_2:
0x11f: {  	(tag) =	ssettag $0x2  }
0x120: {  	s0 =	rddreg [dreg:$0x0];
	s2 =	stileid.u32  }
0x121: {  	s1 =	rddreg [dreg:$0x1];
	p0 =	sne.s32 s2, $0x0  }
0x122: {  	s3 =	rddreg [dreg:$0x2];
	[bflag:$0x3] =	sbarrier.arrive $0xFFFF;
	s2 =	simm.s32 @!p0 $0x1C09  }
0x123: {  	[timem:s3], [sflag:s2] =	dma.local @!p0 [hbm:s0], s1  }
0x124: {  	s0 =	simm.s32 @!p0 $0x9  }
0x125: {  	_ =	swait.ge @!p0 [sflag:s0], s1  }
0x126: {  	s1 =	ssub.s32 @!p0 $0x0, s1;
	[sflag:s0] =	ssyncset.done @!p0 $0x0  }
0x127: {  	[sflag:s0] =	ssyncadd.s32 @!p0 s1  }
0x128: {  	[bflag:$0x3] =	sbarrier.arrive $0xFFFF  }
0x129: {  	_ =	shalt  }

</sc_bundles>
